<compile_context>
chip_gen: v7x
topology: tpu7x:2x2x1
jax: 0.10.2.dev20260603
libtpu: 0.0.44.dev20260713+nightly
codegen_flags: <defaults>
</compile_context>

<pallas_src>
import functools

import jax
import jax.numpy as jnp
from jax import lax
from jax.experimental import pallas as pl
from jax.experimental.pallas import tpu as pltpu
from jax.experimental.pallas import tpu_sc as plsc

N_ACTIONS = 10
N_FEAT = 512
LANES = 16
CHUNKS = N_FEAT // LANES


def _xlane_all(op, v):
    dnums = lax.GatherDimensionNumbers(
        offset_dims=(), collapsed_slice_dims=(0,), start_index_map=(0,)
    )
    for sh in (8, 4, 2, 1):
        perm = lax.iota(jnp.int32, LANES) ^ sh
        shuf = lax.gather(
            v,
            perm[:, None],
            dnums,
            slice_sizes=(1,),
            mode=lax.GatherScatterMode.PROMISE_IN_BOUNDS,
        )
        v = op(v, shuf)
    return v


def _sc_softmax_body(state_hbm, table_hbm, out_hbm, state_v, row_v, sem):
    wid = lax.axis_index("s")

    @pl.when(wid < N_ACTIONS)
    def _():
        pltpu.sync_copy(state_hbm, state_v.at[pl.ds(0, 1)])
        row = state_v[...][0] * N_ACTIONS + wid
        pltpu.async_copy(table_hbm.at[pl.ds(row, 1)], row_v, sem).wait()

        chunks = [row_v[0, pl.ds(i * LANES, LANES)] for i in range(CHUNKS)]
        m = chunks[0]
        for i in range(1, CHUNKS):
            m = jnp.maximum(m, chunks[i])
        m = _xlane_all(jnp.maximum, m)

        s = jnp.zeros((LANES,), dtype=jnp.float32)
        for i in range(CHUNKS):
            chunks[i] = jnp.exp(chunks[i] - m)
            s = s + chunks[i]
        inv = 1.0 / _xlane_all(jnp.add, s)

        for i in range(CHUNKS):
            row_v[0, pl.ds(i * LANES, LANES)] = chunks[i] * inv

        pltpu.sync_copy(row_v, out_hbm.at[pl.ds(wid, 1)])


_sc_softmax = functools.partial(
    pl.kernel,
    mesh=plsc.VectorSubcoreMesh(
        core_axis_name="c", subcore_axis_name="s", num_cores=1
    ),
    out_type=jax.ShapeDtypeStruct((N_ACTIONS, N_FEAT), jnp.float32),
    scratch_types=[
        pltpu.VMEM((LANES,), jnp.int32),
        pltpu.VMEM((1, N_FEAT), jnp.float32),
        pltpu.SemaphoreType.DMA,
    ],
)(_sc_softmax_body)


def kernel(state, table):
    state_arr = jnp.asarray(state, jnp.int32).reshape((1,))
    return _sc_softmax(state_arr, table)

# --- scband reference (transcript-rebuilt; emitter-appended) ---
"""Pipeline reference for scband-q-table-91122026152139 (READ-ONLY COPY).

The authoritative reference and input builder live on the scoring server;
editing this copy changes nothing except your own understanding.
"""

import jax, jax.numpy as jnp
import numpy as np

N_STATES = 1000
N_ACTIONS = 10
N = 512


def setup_inputs(seed: int = 0) -> dict:
    key = jax.random.key(seed)
    # Learned parameter: the full Q-table, one row per (state, action) pair.
    # Torch initializes to zeros; we use random normal so softmax/grads are nontrivial.
    table = jax.random.normal(key, (N_STATES * N_ACTIONS, N), dtype=jnp.float32)
    state = 537  # scalar state index, must be < N_STATES
    return {"state": state, "table": table}


def reference(state, table):
    # Gather the N_ACTIONS parameter rows belonging to this state and softmax each.
    # Torch returns a Python list of n_actions tensors of shape [N]; we return the
    # stacked equivalent of shape [N_ACTIONS, N] (row i == list element i).
    idx = state * N_ACTIONS + jnp.arange(N_ACTIONS)
    rows = jnp.take(table, idx, axis=0)
    return jax.nn.softmax(rows, axis=-1)

if __name__ == "__main__":
    import jax
    _d = setup_inputs()
    print(jax.jit(kernel)(*tuple(_d.values())))

</pallas_src>

<mosaic_0001>
#map = affine_map<(d0, d1) -> (0)>
#map1 = affine_map<(d0, d1) -> (0, 0)>
module attributes {stable_mosaic.version = 14 : i64} {
  func.func @_sc_softmax_body(%arg0: i32, %arg1: i32, %arg2: memref<1xi32, #tpu.memory_space<hbm>>, %arg3: memref<10000x512xf32, #tpu.memory_space<hbm>>, %arg4: memref<10x512xf32, #tpu.memory_space<hbm>>, %arg5: memref<16xi32, #tpu.memory_space<vmem>>, %arg6: memref<1x512xf32, #tpu.memory_space<vmem>>, %arg7: memref<!tpu.dma_semaphore, #tpu.memory_space<semaphore_mem>>) attributes {dimension_semantics = [#tpu.dimension_semantics<core_parallel>, #tpu.dimension_semantics<subcore_parallel>], iteration_bounds = array<i64: 1, 16>, scalar_prefetch = 0 : i64, scratch_operands = 3 : i64, tpu.core_type = #tpu.core_type<sc_vector_subcore>, window_params = [{transform_indices = #map}, {transform_indices = #map1}, {transform_indices = #map1}]} {
    %lt3A = arith.constant 10 : i32
    %lt3A_0 = arith.cmpi slt, %arg1, %lt3A : i32
    %convert_element_type3A = arith.extui %lt3A_0 : i1 to i32
    %cond3A = arith.constant 0 : i32
    %cond3A_1 = arith.cmpi ne, %convert_element_type3A, %cond3A : i32
    scf.if %cond3A_1 {
      "tpu.region"() ({
        %run_scoped3A = tpu.sem_alloc : memref<!tpu.dma_semaphore, #tpu.memory_space<semaphore_mem>>
        %dma_start3A_582 = arith.constant 0 : i32
        %dma_start3A_583 = tpu.memref_slice %arg5[%dma_start3A_582] : memref<16xi32, #tpu.memory_space<vmem>> -> memref<1xi32, #tpu.memory_space<vmem>>
        %dma_start3A_584 = arith.constant 0 : i32
        %dma_start3A_585 = tpu.memref_slice %arg5[%dma_start3A_584] : memref<16xi32, #tpu.memory_space<vmem>> -> memref<1xi32, #tpu.memory_space<vmem>>
        tpu.enqueue_dma source(%arg2 : memref<1xi32, #tpu.memory_space<hbm>>) target(%dma_start3A_585 : memref<1xi32, #tpu.memory_space<vmem>>) target_semaphore(%run_scoped3A : memref<!tpu.dma_semaphore, #tpu.memory_space<semaphore_mem>>)
        %dma_wait3A_586 = arith.constant 0 : i32
        %dma_wait3A_587 = tpu.memref_slice %arg5[%dma_wait3A_586] : memref<16xi32, #tpu.memory_space<vmem>> -> memref<1xi32, #tpu.memory_space<vmem>>
        %dma_wait3A_588 = arith.constant 0 : i32
        %dma_wait3A_589 = tpu.memref_slice %arg5[%dma_wait3A_588] : memref<16xi32, #tpu.memory_space<vmem>> -> memref<1xi32, #tpu.memory_space<vmem>>
        tpu.wait_dma2 semaphore(%run_scoped3A : memref<!tpu.dma_semaphore, #tpu.memory_space<semaphore_mem>>) src(%arg2 : memref<1xi32, #tpu.memory_space<hbm>>) dst(%dma_wait3A_589 : memref<1xi32, #tpu.memory_space<vmem>>)
        tpu.yield
      }) : () -> ()
      %get3A = arith.constant 0 : index
      %get3A_2 = tpu.vector_load %arg5[%get3A] {strides = array<i32>} : memref<16xi32, #tpu.memory_space<vmem>>, vector<16xi32>,
      %get3A_3 = vector.shape_cast %get3A_2 : vector<16xi32> to vector<16xi32>
      %slice3A = vector.extract_strided_slice %get3A_3 {offsets = [0], sizes = [1], strides = [1]} : vector<16xi32> to vector<1xi32>
      %squeeze3A = vector.extract %slice3A[0] : i32 from vector<1xi32>
      %mul3A = arith.constant 10 : i32
      %mul3A_4 = arith.muli %squeeze3A, %mul3A : i32
      %add3A = arith.addi %mul3A_4, %arg1 : i32
      %dma_start3A = arith.constant 0 : i32
      %dma_start3A_5 = tpu.memref_slice %arg3[%add3A, %dma_start3A] : memref<10000x512xf32, #tpu.memory_space<hbm>> -> memref<1x512xf32, #tpu.memory_space<hbm>>
      %dma_start3A_6 = arith.constant 0 : i32
      %dma_start3A_7 = tpu.memref_slice %arg3[%add3A, %dma_start3A_6] : memref<10000x512xf32, #tpu.memory_space<hbm>> -> memref<1x512xf32, #tpu.memory_space<hbm>>
      tpu.enqueue_dma source(%dma_start3A_7 : memref<1x512xf32, #tpu.memory_space<hbm>>) target(%arg6 : memref<1x512xf32, #tpu.memory_space<vmem>>) target_semaphore(%arg7 : memref<!tpu.dma_semaphore, #tpu.memory_space<semaphore_mem>>)
      %dma_wait3A = arith.constant 0 : i32
      %dma_wait3A_8 = tpu.memref_slice %arg3[%add3A, %dma_wait3A] : memref<10000x512xf32, #tpu.memory_space<hbm>> -> memref<1x512xf32, #tpu.memory_space<hbm>>
      %dma_wait3A_9 = arith.constant 0 : i32
      %dma_wait3A_10 = tpu.memref_slice %arg3[%add3A, %dma_wait3A_9] : memref<10000x512xf32, #tpu.memory_space<hbm>> -> memref<1x512xf32, #tpu.memory_space<hbm>>
      tpu.wait_dma2 semaphore(%arg7 : memref<!tpu.dma_semaphore, #tpu.memory_space<semaphore_mem>>) src(%dma_wait3A_10 : memref<1x512xf32, #tpu.memory_space<hbm>>) dst(%arg6 : memref<1x512xf32, #tpu.memory_space<vmem>>)
      %get3A_11 = arith.constant 0 : i32
      %get3A_12 = arith.index_cast %get3A_11 : i32 to index
      %get3A_13 = arith.constant 0 : index
      %get3A_14 = tpu.vector_load %arg6[%get3A_12, %get3A_13] {strides = array<i32>} : memref<1x512xf32, #tpu.memory_space<vmem>>, vector<1x16xf32>,
      %get3A_15 = vector.shape_cast %get3A_14 : vector<1x16xf32> to vector<16xf32>
      %get3A_16 = arith.constant 0 : i32
      %get3A_17 = arith.index_cast %get3A_16 : i32 to index
      %get3A_18 = arith.constant 16 : index
      %get3A_19 = tpu.vector_load %arg6[%get3A_17, %get3A_18] {strides = array<i32>} : memref<1x512xf32, #tpu.memory_space<vmem>>, vector<1x16xf32>,
      %get3A_20 = vector.shape_cast %get3A_19 : vector<1x16xf32> to vector<16xf32>
      %get3A_21 = arith.constant 0 : i32
      %get3A_22 = arith.index_cast %get3A_21 : i32 to index
      %get3A_23 = arith.constant 32 : index
      %get3A_24 = tpu.vector_load %arg6[%get3A_22, %get3A_23] {strides = array<i32>} : memref<1x512xf32, #tpu.memory_space<vmem>>, vector<1x16xf32>,
      %get3A_25 = vector.shape_cast %get3A_24 : vector<1x16xf32> to vector<16xf32>
      %get3A_26 = arith.constant 0 : i32
      %get3A_27 = arith.index_cast %get3A_26 : i32 to index
      %get3A_28 = arith.constant 48 : index
      %get3A_29 = tpu.vector_load %arg6[%get3A_27, %get3A_28] {strides = array<i32>} : memref<1x512xf32, #tpu.memory_space<vmem>>, vector<1x16xf32>,
      %get3A_30 = vector.shape_cast %get3A_29 : vector<1x16xf32> to vector<16xf32>
      %get3A_31 = arith.constant 0 : i32
      %get3A_32 = arith.index_cast %get3A_31 : i32 to index
      %get3A_33 = arith.constant 64 : index
      %get3A_34 = tpu.vector_load %arg6[%get3A_32, %get3A_33] {strides = array<i32>} : memref<1x512xf32, #tpu.memory_space<vmem>>, vector<1x16xf32>,
      %get3A_35 = vector.shape_cast %get3A_34 : vector<1x16xf32> to vector<16xf32>
      %get3A_36 = arith.constant 0 : i32
      %get3A_37 = arith.index_cast %get3A_36 : i32 to index
      %get3A_38 = arith.constant 80 : index
      %get3A_39 = tpu.vector_load %arg6[%get3A_37, %get3A_38] {strides = array<i32>} : memref<1x512xf32, #tpu.memory_space<vmem>>, vector<1x16xf32>,
      %get3A_40 = vector.shape_cast %get3A_39 : vector<1x16xf32> to vector<16xf32>
      %get3A_41 = arith.constant 0 : i32
      %get3A_42 = arith.index_cast %get3A_41 : i32 to index
      %get3A_43 = arith.constant 96 : index
      %get3A_44 = tpu.vector_load %arg6[%get3A_42, %get3A_43] {strides = array<i32>} : memref<1x512xf32, #tpu.memory_space<vmem>>, vector<1x16xf32>,
      %get3A_45 = vector.shape_cast %get3A_44 : vector<1x16xf32> to vector<16xf32>
      %get3A_46 = arith.constant 0 : i32
      %get3A_47 = arith.index_cast %get3A_46 : i32 to index
      %get3A_48 = arith.constant 112 : index
      %get3A_49 = tpu.vector_load %arg6[%get3A_47, %get3A_48] {strides = array<i32>} : memref<1x512xf32, #tpu.memory_space<vmem>>, vector<1x16xf32>,
      %get3A_50 = vector.shape_cast %get3A_49 : vector<1x16xf32> to vector<16xf32>
      %get3A_51 = arith.constant 0 : i32
      %get3A_52 = arith.index_cast %get3A_51 : i32 to index
      %get3A_53 = arith.constant 128 : index
      %get3A_54 = tpu.vector_load %arg6[%get3A_52, %get3A_53] {strides = array<i32>} : memref<1x512xf32, #tpu.memory_space<vmem>>, vector<1x16xf32>,
      %get3A_55 = vector.shape_cast %get3A_54 : vector<1x16xf32> to vector<16xf32>
      %get3A_56 = arith.constant 0 : i32
      %get3A_57 = arith.index_cast %get3A_56 : i32 to index
      %get3A_58 = arith.constant 144 : index
      %get3A_59 = tpu.vector_load %arg6[%get3A_57, %get3A_58] {strides = array<i32>} : memref<1x512xf32, #tpu.memory_space<vmem>>, vector<1x16xf32>,
      %get3A_60 = vector.shape_cast %get3A_59 : vector<1x16xf32> to vector<16xf32>
      %get3A_61 = arith.constant 0 : i32
      %get3A_62 = arith.index_cast %get3A_61 : i32 to index
      %get3A_63 = arith.constant 160 : index
      %get3A_64 = tpu.vector_load %arg6[%get3A_62, %get3A_63] {strides = array<i32>} : memref<1x512xf32, #tpu.memory_space<vmem>>, vector<1x16xf32>,
      %get3A_65 = vector.shape_cast %get3A_64 : vector<1x16xf32> to vector<16xf32>
      %get3A_66 = arith.constant 0 : i32
      %get3A_67 = arith.index_cast %get3A_66 : i32 to index
      %get3A_68 = arith.constant 176 : index
      %get3A_69 = tpu.vector_load %arg6[%get3A_67, %get3A_68] {strides = array<i32>} : memref<1x512xf32, #tpu.memory_space<vmem>>, vector<1x16xf32>,
      %get3A_70 = vector.shape_cast %get3A_69 : vector<1x16xf32> to vector<16xf32>
      %get3A_71 = arith.constant 0 : i32
      %get3A_72 = arith.index_cast %get3A_71 : i32 to index
      %get3A_73 = arith.constant 192 : index
      %get3A_74 = tpu.vector_load %arg6[%get3A_72, %get3A_73] {strides = array<i32>} : memref<1x512xf32, #tpu.memory_space<vmem>>, vector<1x16xf32>,
      %get3A_75 = vector.shape_cast %get3A_74 : vector<1x16xf32> to vector<16xf32>
      %get3A_76 = arith.constant 0 : i32
      %get3A_77 = arith.index_cast %get3A_76 : i32 to index
      %get3A_78 = arith.constant 208 : index
      %get3A_79 = tpu.vector_load %arg6[%get3A_77, %get3A_78] {strides = array<i32>} : memref<1x512xf32, #tpu.memory_space<vmem>>, vector<1x16xf32>,
      %get3A_80 = vector.shape_cast %get3A_79 : vector<1x16xf32> to vector<16xf32>
      %get3A_81 = arith.constant 0 : i32
      %get3A_82 = arith.index_cast %get3A_81 : i32 to index
      %get3A_83 = arith.constant 224 : index
      %get3A_84 = tpu.vector_load %arg6[%get3A_82, %get3A_83] {strides = array<i32>} : memref<1x512xf32, #tpu.memory_space<vmem>>, vector<1x16xf32>,
      %get3A_85 = vector.shape_cast %get3A_84 : vector<1x16xf32> to vector<16xf32>
      %get3A_86 = arith.constant 0 : i32
      %get3A_87 = arith.index_cast %get3A_86 : i32 to index
      %get3A_88 = arith.constant 240 : index
      %get3A_89 = tpu.vector_load %arg6[%get3A_87, %get3A_88] {strides = array<i32>} : memref<1x512xf32, #tpu.memory_space<vmem>>, vector<1x16xf32>,
      %get3A_90 = vector.shape_cast %get3A_89 : vector<1x16xf32> to vector<16xf32>
      %get3A_91 = arith.constant 0 : i32
      %get3A_92 = arith.index_cast %get3A_91 : i32 to index
      %get3A_93 = arith.constant 256 : index
      %get3A_94 = tpu.vector_load %arg6[%get3A_92, %get3A_93] {strides = array<i32>} : memref<1x512xf32, #tpu.memory_space<vmem>>, vector<1x16xf32>,
      %get3A_95 = vector.shape_cast %get3A_94 : vector<1x16xf32> to vector<16xf32>
      %get3A_96 = arith.constant 0 : i32
      %get3A_97 = arith.index_cast %get3A_96 : i32 to index
      %get3A_98 = arith.constant 272 : index
      %get3A_99 = tpu.vector_load %arg6[%get3A_97, %get3A_98] {strides = array<i32>} : memref<1x512xf32, #tpu.memory_space<vmem>>, vector<1x16xf32>,
      %get3A_100 = vector.shape_cast %get3A_99 : vector<1x16xf32> to vector<16xf32>
      %get3A_101 = arith.constant 0 : i32
      %get3A_102 = arith.index_cast %get3A_101 : i32 to index
      %get3A_103 = arith.constant 288 : index
      %get3A_104 = tpu.vector_load %arg6[%get3A_102, %get3A_103] {strides = array<i32>} : memref<1x512xf32, #tpu.memory_space<vmem>>, vector<1x16xf32>,
      %get3A_105 = vector.shape_cast %get3A_104 : vector<1x16xf32> to vector<16xf32>
      %get3A_106 = arith.constant 0 : i32
      %get3A_107 = arith.index_cast %get3A_106 : i32 to index
      %get3A_108 = arith.constant 304 : index
      %get3A_109 = tpu.vector_load %arg6[%get3A_107, %get3A_108] {strides = array<i32>} : memref<1x512xf32, #tpu.memory_space<vmem>>, vector<1x16xf32>,
      %get3A_110 = vector.shape_cast %get3A_109 : vector<1x16xf32> to vector<16xf32>
      %get3A_111 = arith.constant 0 : i32
      %get3A_112 = arith.index_cast %get3A_111 : i32 to index
      %get3A_113 = arith.constant 320 : index
      %get3A_114 = tpu.vector_load %arg6[%get3A_112, %get3A_113] {strides = array<i32>} : memref<1x512xf32, #tpu.memory_space<vmem>>, vector<1x16xf32>,
      %get3A_115 = vector.shape_cast %get3A_114 : vector<1x16xf32> to vector<16xf32>
      %get3A_116 = arith.constant 0 : i32
      %get3A_117 = arith.index_cast %get3A_116 : i32 to index
      %get3A_118 = arith.constant 336 : index
      %get3A_119 = tpu.vector_load %arg6[%get3A_117, %get3A_118] {strides = array<i32>} : memref<1x512xf32, #tpu.memory_space<vmem>>, vector<1x16xf32>,
      %get3A_120 = vector.shape_cast %get3A_119 : vector<1x16xf32> to vector<16xf32>
      %get3A_121 = arith.constant 0 : i32
      %get3A_122 = arith.index_cast %get3A_121 : i32 to index
      %get3A_123 = arith.constant 352 : index
      %get3A_124 = tpu.vector_load %arg6[%get3A_122, %get3A_123] {strides = array<i32>} : memref<1x512xf32, #tpu.memory_space<vmem>>, vector<1x16xf32>,
      %get3A_125 = vector.shape_cast %get3A_124 : vector<1x16xf32> to vector<16xf32>
      %get3A_126 = arith.constant 0 : i32
      %get3A_127 = arith.index_cast %get3A_126 : i32 to index
      %get3A_128 = arith.constant 368 : index
      %get3A_129 = tpu.vector_load %arg6[%get3A_127, %get3A_128] {strides = array<i32>} : memref<1x512xf32, #tpu.memory_space<vmem>>, vector<1x16xf32>,
      %get3A_130 = vector.shape_cast %get3A_129 : vector<1x16xf32> to vector<16xf32>
      %get3A_131 = arith.constant 0 : i32
      %get3A_132 = arith.index_cast %get3A_131 : i32 to index
      %get3A_133 = arith.constant 384 : index
      %get3A_134 = tpu.vector_load %arg6[%get3A_132, %get3A_133] {strides = array<i32>} : memref<1x512xf32, #tpu.memory_space<vmem>>, vector<1x16xf32>,
      %get3A_135 = vector.shape_cast %get3A_134 : vector<1x16xf32> to vector<16xf32>
      %get3A_136 = arith.constant 0 : i32
      %get3A_137 = arith.index_cast %get3A_136 : i32 to index
      %get3A_138 = arith.constant 400 : index
      %get3A_139 = tpu.vector_load %arg6[%get3A_137, %get3A_138] {strides = array<i32>} : memref<1x512xf32, #tpu.memory_space<vmem>>, vector<1x16xf32>,
      %get3A_140 = vector.shape_cast %get3A_139 : vector<1x16xf32> to vector<16xf32>
      %get3A_141 = arith.constant 0 : i32
      %get3A_142 = arith.index_cast %get3A_141 : i32 to index
      %get3A_143 = arith.constant 416 : index
      %get3A_144 = tpu.vector_load %arg6[%get3A_142, %get3A_143] {strides = array<i32>} : memref<1x512xf32, #tpu.memory_space<vmem>>, vector<1x16xf32>,
      %get3A_145 = vector.shape_cast %get3A_144 : vector<1x16xf32> to vector<16xf32>
      %get3A_146 = arith.constant 0 : i32
      %get3A_147 = arith.index_cast %get3A_146 : i32 to index
      %get3A_148 = arith.constant 432 : index
      %get3A_149 = tpu.vector_load %arg6[%get3A_147, %get3A_148] {strides = array<i32>} : memref<1x512xf32, #tpu.memory_space<vmem>>, vector<1x16xf32>,
      %get3A_150 = vector.shape_cast %get3A_149 : vector<1x16xf32> to vector<16xf32>
      %get3A_151 = arith.constant 0 : i32
      %get3A_152 = arith.index_cast %get3A_151 : i32 to index
      %get3A_153 = arith.constant 448 : index
      %get3A_154 = tpu.vector_load %arg6[%get3A_152, %get3A_153] {strides = array<i32>} : memref<1x512xf32, #tpu.memory_space<vmem>>, vector<1x16xf32>,
      %get3A_155 = vector.shape_cast %get3A_154 : vector<1x16xf32> to vector<16xf32>
      %get3A_156 = arith.constant 0 : i32
      %get3A_157 = arith.index_cast %get3A_156 : i32 to index
      %get3A_158 = arith.constant 464 : index
      %get3A_159 = tpu.vector_load %arg6[%get3A_157, %get3A_158] {strides = array<i32>} : memref<1x512xf32, #tpu.memory_space<vmem>>, vector<1x16xf32>,
      %get3A_160 = vector.shape_cast %get3A_159 : vector<1x16xf32> to vector<16xf32>
      %get3A_161 = arith.constant 0 : i32
      %get3A_162 = arith.index_cast %get3A_161 : i32 to index
      %get3A_163 = arith.constant 480 : index
      %get3A_164 = tpu.vector_load %arg6[%get3A_162, %get3A_163] {strides = array<i32>} : memref<1x512xf32, #tpu.memory_space<vmem>>, vector<1x16xf32>,
      %get3A_165 = vector.shape_cast %get3A_164 : vector<1x16xf32> to vector<16xf32>
      %get3A_166 = arith.constant 0 : i32
      %get3A_167 = arith.index_cast %get3A_166 : i32 to index
      %get3A_168 = arith.constant 496 : index
      %get3A_169 = tpu.vector_load %arg6[%get3A_167, %get3A_168] {strides = array<i32>} : memref<1x512xf32, #tpu.memory_space<vmem>>, vector<1x16xf32>,
      %get3A_170 = vector.shape_cast %get3A_169 : vector<1x16xf32> to vector<16xf32>
      %max3A = arith.maximumf %get3A_15, %get3A_20 : vector<16xf32>
      %max3A_171 = arith.maximumf %max3A, %get3A_25 : vector<16xf32>
      %max3A_172 = arith.maximumf %max3A_171, %get3A_30 : vector<16xf32>
      %max3A_173 = arith.maximumf %max3A_172, %get3A_35 : vector<16xf32>
      %max3A_174 = arith.maximumf %max3A_173, %get3A_40 : vector<16xf32>
      %max3A_175 = arith.maximumf %max3A_174, %get3A_45 : vector<16xf32>
      %max3A_176 = arith.maximumf %max3A_175, %get3A_50 : vector<16xf32>
      %max3A_177 = arith.maximumf %max3A_176, %get3A_55 : vector<16xf32>
      %max3A_178 = arith.maximumf %max3A_177, %get3A_60 : vector<16xf32>
      %max3A_179 = arith.maximumf %max3A_178, %get3A_65 : vector<16xf32>
      %max3A_180 = arith.maximumf %max3A_179, %get3A_70 : vector<16xf32>
      %max3A_181 = arith.maximumf %max3A_180, %get3A_75 : vector<16xf32>
      %max3A_182 = arith.maximumf %max3A_181, %get3A_80 : vector<16xf32>
      %max3A_183 = arith.maximumf %max3A_182, %get3A_85 : vector<16xf32>
      %max3A_184 = arith.maximumf %max3A_183, %get3A_90 : vector<16xf32>
      %max3A_185 = arith.maximumf %max3A_184, %get3A_95 : vector<16xf32>
      %max3A_186 = arith.maximumf %max3A_185, %get3A_100 : vector<16xf32>
      %max3A_187 = arith.maximumf %max3A_186, %get3A_105 : vector<16xf32>
      %max3A_188 = arith.maximumf %max3A_187, %get3A_110 : vector<16xf32>
      %max3A_189 = arith.maximumf %max3A_188, %get3A_115 : vector<16xf32>
      %max3A_190 = arith.maximumf %max3A_189, %get3A_120 : vector<16xf32>
      %max3A_191 = arith.maximumf %max3A_190, %get3A_125 : vector<16xf32>
      %max3A_192 = arith.maximumf %max3A_191, %get3A_130 : vector<16xf32>
      %max3A_193 = arith.maximumf %max3A_192, %get3A_135 : vector<16xf32>
      %max3A_194 = arith.maximumf %max3A_193, %get3A_140 : vector<16xf32>
      %max3A_195 = arith.maximumf %max3A_194, %get3A_145 : vector<16xf32>
      %max3A_196 = arith.maximumf %max3A_195, %get3A_150 : vector<16xf32>
      %max3A_197 = arith.maximumf %max3A_196, %get3A_155 : vector<16xf32>
      %max3A_198 = arith.maximumf %max3A_197, %get3A_160 : vector<16xf32>
      %max3A_199 = arith.maximumf %max3A_198, %get3A_165 : vector<16xf32>
      %max3A_200 = arith.maximumf %max3A_199, %get3A_170 : vector<16xf32>
      %iota3A = tpu.iota {dimensions = array<i32: 0>} : vector<16xi32>
      %xor3A = arith.constant 8 : i32
      %xor3A_201 = vector.broadcast %xor3A : i32 to vector<16xi32>
      %xor3A_202 = arith.xori %iota3A, %xor3A_201 : vector<16xi32>
      %broadcast_in_dim3A = vector.shape_cast %xor3A_202 : vector<16xi32> to vector<16x1xi32>
      %gather3A = vector.shape_cast %broadcast_in_dim3A : vector<16x1xi32> to vector<16xi32>
      %gather3A_203 = tpu.dynamic_gather %max3A_200[%gather3A] in [0] : vector<16xf32>, vector<16xi32> -> vector<16xf32>
      %max3A_204 = arith.maximumf %max3A_200, %gather3A_203 : vector<16xf32>
      %iota3A_205 = tpu.iota {dimensions = array<i32: 0>} : vector<16xi32>
      %xor3A_206 = arith.constant 4 : i32
      %xor3A_207 = vector.broadcast %xor3A_206 : i32 to vector<16xi32>
      %xor3A_208 = arith.xori %iota3A_205, %xor3A_207 : vector<16xi32>
      %broadcast_in_dim3A_209 = vector.shape_cast %xor3A_208 : vector<16xi32> to vector<16x1xi32>
      %gather3A_210 = vector.shape_cast %broadcast_in_dim3A_209 : vector<16x1xi32> to vector<16xi32>
      %gather3A_211 = tpu.dynamic_gather %max3A_204[%gather3A_210] in [0] : vector<16xf32>, vector<16xi32> -> vector<16xf32>
      %max3A_212 = arith.maximumf %max3A_204, %gather3A_211 : vector<16xf32>
      %iota3A_213 = tpu.iota {dimensions = array<i32: 0>} : vector<16xi32>
      %xor3A_214 = arith.constant 2 : i32
      %xor3A_215 = vector.broadcast %xor3A_214 : i32 to vector<16xi32>
      %xor3A_216 = arith.xori %iota3A_213, %xor3A_215 : vector<16xi32>
      %broadcast_in_dim3A_217 = vector.shape_cast %xor3A_216 : vector<16xi32> to vector<16x1xi32>
      %gather3A_218 = vector.shape_cast %broadcast_in_dim3A_217 : vector<16x1xi32> to vector<16xi32>
      %gather3A_219 = tpu.dynamic_gather %max3A_212[%gather3A_218] in [0] : vector<16xf32>, vector<16xi32> -> vector<16xf32>
      %max3A_220 = arith.maximumf %max3A_212, %gather3A_219 : vector<16xf32>
      %iota3A_221 = tpu.iota {dimensions = array<i32: 0>} : vector<16xi32>
      %xor3A_222 = arith.constant 1 : i32
      %xor3A_223 = vector.broadcast %xor3A_222 : i32 to vector<16xi32>
      %xor3A_224 = arith.xori %iota3A_221, %xor3A_223 : vector<16xi32>
      %broadcast_in_dim3A_225 = vector.shape_cast %xor3A_224 : vector<16xi32> to vector<16x1xi32>
      %gather3A_226 = vector.shape_cast %broadcast_in_dim3A_225 : vector<16x1xi32> to vector<16xi32>
      %gather3A_227 = tpu.dynamic_gather %max3A_220[%gather3A_226] in [0] : vector<16xf32>, vector<16xi32> -> vector<16xf32>
      %max3A_228 = arith.maximumf %max3A_220, %gather3A_227 : vector<16xf32>
      %broadcast_in_dim3A_229 = arith.constant 0.000000e+00 : f32
      %broadcast_in_dim3A_230 = vector.broadcast %broadcast_in_dim3A_229 : f32 to vector<16xf32>
      %sub3A = arith.subf %get3A_15, %max3A_228 : vector<16xf32>
      %exp3A = math.exp %sub3A : vector<16xf32>
      %add3A_231 = arith.addf %broadcast_in_dim3A_230, %exp3A : vector<16xf32>
      %sub3A_232 = arith.subf %get3A_20, %max3A_228 : vector<16xf32>
      %exp3A_233 = math.exp %sub3A_232 : vector<16xf32>
      %add3A_234 = arith.addf %add3A_231, %exp3A_233 : vector<16xf32>
      %sub3A_235 = arith.subf %get3A_25, %max3A_228 : vector<16xf32>
      %exp3A_236 = math.exp %sub3A_235 : vector<16xf32>
      %add3A_237 = arith.addf %add3A_234, %exp3A_236 : vector<16xf32>
      %sub3A_238 = arith.subf %get3A_30, %max3A_228 : vector<16xf32>
      %exp3A_239 = math.exp %sub3A_238 : vector<16xf32>
      %add3A_240 = arith.addf %add3A_237, %exp3A_239 : vector<16xf32>
      %sub3A_241 = arith.subf %get3A_35, %max3A_228 : vector<16xf32>
      %exp3A_242 = math.exp %sub3A_241 : vector<16xf32>
      %add3A_243 = arith.addf %add3A_240, %exp3A_242 : vector<16xf32>
      %sub3A_244 = arith.subf %get3A_40, %max3A_228 : vector<16xf32>
      %exp3A_245 = math.exp %sub3A_244 : vector<16xf32>
      %add3A_246 = arith.addf %add3A_243, %exp3A_245 : vector<16xf32>
      %sub3A_247 = arith.subf %get3A_45, %max3A_228 : vector<16xf32>
      %exp3A_248 = math.exp %sub3A_247 : vector<16xf32>
      %add3A_249 = arith.addf %add3A_246, %exp3A_248 : vector<16xf32>
      %sub3A_250 = arith.subf %get3A_50, %max3A_228 : vector<16xf32>
      %exp3A_251 = math.exp %sub3A_250 : vector<16xf32>
      %add3A_252 = arith.addf %add3A_249, %exp3A_251 : vector<16xf32>
      %sub3A_253 = arith.subf %get3A_55, %max3A_228 : vector<16xf32>
      %exp3A_254 = math.exp %sub3A_253 : vector<16xf32>
      %add3A_255 = arith.addf %add3A_252, %exp3A_254 : vector<16xf32>
      %sub3A_256 = arith.subf %get3A_60, %max3A_228 : vector<16xf32>
      %exp3A_257 = math.exp %sub3A_256 : vector<16xf32>
      %add3A_258 = arith.addf %add3A_255, %exp3A_257 : vector<16xf32>
      %sub3A_259 = arith.subf %get3A_65, %max3A_228 : vector<16xf32>
      %exp3A_260 = math.exp %sub3A_259 : vector<16xf32>
      %add3A_261 = arith.addf %add3A_258, %exp3A_260 : vector<16xf32>
      %sub3A_262 = arith.subf %get3A_70, %max3A_228 : vector<16xf32>
      %exp3A_263 = math.exp %sub3A_262 : vector<16xf32>
      %add3A_264 = arith.addf %add3A_261, %exp3A_263 : vector<16xf32>
      %sub3A_265 = arith.subf %get3A_75, %max3A_228 : vector<16xf32>
      %exp3A_266 = math.exp %sub3A_265 : vector<16xf32>
      %add3A_267 = arith.addf %add3A_264, %exp3A_266 : vector<16xf32>
      %sub3A_268 = arith.subf %get3A_80, %max3A_228 : vector<16xf32>
      %exp3A_269 = math.exp %sub3A_268 : vector<16xf32>
      %add3A_270 = arith.addf %add3A_267, %exp3A_269 : vector<16xf32>
      %sub3A_271 = arith.subf %get3A_85, %max3A_228 : vector<16xf32>
      %exp3A_272 = math.exp %sub3A_271 : vector<16xf32>
      %add3A_273 = arith.addf %add3A_270, %exp3A_272 : vector<16xf32>
      %sub3A_274 = arith.subf %get3A_90, %max3A_228 : vector<16xf32>
      %exp3A_275 = math.exp %sub3A_274 : vector<16xf32>
      %add3A_276 = arith.addf %add3A_273, %exp3A_275 : vector<16xf32>
      %sub3A_277 = arith.subf %get3A_95, %max3A_228 : vector<16xf32>
      %exp3A_278 = math.exp %sub3A_277 : vector<16xf32>
      %add3A_279 = arith.addf %add3A_276, %exp3A_278 : vector<16xf32>
      %sub3A_280 = arith.subf %get3A_100, %max3A_228 : vector<16xf32>
      %exp3A_281 = math.exp %sub3A_280 : vector<16xf32>
      %add3A_282 = arith.addf %add3A_279, %exp3A_281 : vector<16xf32>
      %sub3A_283 = arith.subf %get3A_105, %max3A_228 : vector<16xf32>
      %exp3A_284 = math.exp %sub3A_283 : vector<16xf32>
      %add3A_285 = arith.addf %add3A_282, %exp3A_284 : vector<16xf32>
      %sub3A_286 = arith.subf %get3A_110, %max3A_228 : vector<16xf32>
      %exp3A_287 = math.exp %sub3A_286 : vector<16xf32>
      %add3A_288 = arith.addf %add3A_285, %exp3A_287 : vector<16xf32>
      %sub3A_289 = arith.subf %get3A_115, %max3A_228 : vector<16xf32>
      %exp3A_290 = math.exp %sub3A_289 : vector<16xf32>
      %add3A_291 = arith.addf %add3A_288, %exp3A_290 : vector<16xf32>
      %sub3A_292 = arith.subf %get3A_120, %max3A_228 : vector<16xf32>
      %exp3A_293 = math.exp %sub3A_292 : vector<16xf32>
      %add3A_294 = arith.addf %add3A_291, %exp3A_293 : vector<16xf32>
      %sub3A_295 = arith.subf %get3A_125, %max3A_228 : vector<16xf32>
      %exp3A_296 = math.exp %sub3A_295 : vector<16xf32>
      %add3A_297 = arith.addf %add3A_294, %exp3A_296 : vector<16xf32>
      %sub3A_298 = arith.subf %get3A_130, %max3A_228 : vector<16xf32>
      %exp3A_299 = math.exp %sub3A_298 : vector<16xf32>
      %add3A_300 = arith.addf %add3A_297, %exp3A_299 : vector<16xf32>
      %sub3A_301 = arith.subf %get3A_135, %max3A_228 : vector<16xf32>
      %exp3A_302 = math.exp %sub3A_301 : vector<16xf32>
      %add3A_303 = arith.addf %add3A_300, %exp3A_302 : vector<16xf32>
      %sub3A_304 = arith.subf %get3A_140, %max3A_228 : vector<16xf32>
      %exp3A_305 = math.exp %sub3A_304 : vector<16xf32>
      %add3A_306 = arith.addf %add3A_303, %exp3A_305 : vector<16xf32>
      %sub3A_307 = arith.subf %get3A_145, %max3A_228 : vector<16xf32>
      %exp3A_308 = math.exp %sub3A_307 : vector<16xf32>
      %add3A_309 = arith.addf %add3A_306, %exp3A_308 : vector<16xf32>
      %sub3A_310 = arith.subf %get3A_150, %max3A_228 : vector<16xf32>
      %exp3A_311 = math.exp %sub3A_310 : vector<16xf32>
      %add3A_312 = arith.addf %add3A_309, %exp3A_311 : vector<16xf32>
      %sub3A_313 = arith.subf %get3A_155, %max3A_228 : vector<16xf32>
      %exp3A_314 = math.exp %sub3A_313 : vector<16xf32>
      %add3A_315 = arith.addf %add3A_312, %exp3A_314 : vector<16xf32>
      %sub3A_316 = arith.subf %get3A_160, %max3A_228 : vector<16xf32>
      %exp3A_317 = math.exp %sub3A_316 : vector<16xf32>
      %add3A_318 = arith.addf %add3A_315, %exp3A_317 : vector<16xf32>
      %sub3A_319 = arith.subf %get3A_165, %max3A_228 : vector<16xf32>
      %exp3A_320 = math.exp %sub3A_319 : vector<16xf32>
      %add3A_321 = arith.addf %add3A_318, %exp3A_320 : vector<16xf32>
      %sub3A_322 = arith.subf %get3A_170, %max3A_228 : vector<16xf32>
      %exp3A_323 = math.exp %sub3A_322 : vector<16xf32>
      %add3A_324 = arith.addf %add3A_321, %exp3A_323 : vector<16xf32>
      %iota3A_325 = tpu.iota {dimensions = array<i32: 0>} : vector<16xi32>
      %xor3A_326 = arith.constant 8 : i32
      %xor3A_327 = vector.broadcast %xor3A_326 : i32 to vector<16xi32>
      %xor3A_328 = arith.xori %iota3A_325, %xor3A_327 : vector<16xi32>
      %broadcast_in_dim3A_329 = vector.shape_cast %xor3A_328 : vector<16xi32> to vector<16x1xi32>
      %gather3A_330 = vector.shape_cast %broadcast_in_dim3A_329 : vector<16x1xi32> to vector<16xi32>
      %gather3A_331 = tpu.dynamic_gather %add3A_324[%gather3A_330] in [0] : vector<16xf32>, vector<16xi32> -> vector<16xf32>
      %add3A_332 = arith.addf %add3A_324, %gather3A_331 : vector<16xf32>
      %iota3A_333 = tpu.iota {dimensions = array<i32: 0>} : vector<16xi32>
      %xor3A_334 = arith.constant 4 : i32
      %xor3A_335 = vector.broadcast %xor3A_334 : i32 to vector<16xi32>
      %xor3A_336 = arith.xori %iota3A_333, %xor3A_335 : vector<16xi32>
      %broadcast_in_dim3A_337 = vector.shape_cast %xor3A_336 : vector<16xi32> to vector<16x1xi32>
      %gather3A_338 = vector.shape_cast %broadcast_in_dim3A_337 : vector<16x1xi32> to vector<16xi32>
      %gather3A_339 = tpu.dynamic_gather %add3A_332[%gather3A_338] in [0] : vector<16xf32>, vector<16xi32> -> vector<16xf32>
      %add3A_340 = arith.addf %add3A_332, %gather3A_339 : vector<16xf32>
      %iota3A_341 = tpu.iota {dimensions = array<i32: 0>} : vector<16xi32>
      %xor3A_342 = arith.constant 2 : i32
      %xor3A_343 = vector.broadcast %xor3A_342 : i32 to vector<16xi32>
      %xor3A_344 = arith.xori %iota3A_341, %xor3A_343 : vector<16xi32>
      %broadcast_in_dim3A_345 = vector.shape_cast %xor3A_344 : vector<16xi32> to vector<16x1xi32>
      %gather3A_346 = vector.shape_cast %broadcast_in_dim3A_345 : vector<16x1xi32> to vector<16xi32>
      %gather3A_347 = tpu.dynamic_gather %add3A_340[%gather3A_346] in [0] : vector<16xf32>, vector<16xi32> -> vector<16xf32>
      %add3A_348 = arith.addf %add3A_340, %gather3A_347 : vector<16xf32>
      %iota3A_349 = tpu.iota {dimensions = array<i32: 0>} : vector<16xi32>
      %xor3A_350 = arith.constant 1 : i32
      %xor3A_351 = vector.broadcast %xor3A_350 : i32 to vector<16xi32>
      %xor3A_352 = arith.xori %iota3A_349, %xor3A_351 : vector<16xi32>
      %broadcast_in_dim3A_353 = vector.shape_cast %xor3A_352 : vector<16xi32> to vector<16x1xi32>
      %gather3A_354 = vector.shape_cast %broadcast_in_dim3A_353 : vector<16x1xi32> to vector<16xi32>
      %gather3A_355 = tpu.dynamic_gather %add3A_348[%gather3A_354] in [0] : vector<16xf32>, vector<16xi32> -> vector<16xf32>
      %add3A_356 = arith.addf %add3A_348, %gather3A_355 : vector<16xf32>
      %div3A = arith.constant 1.000000e+00 : f32
      %div3A_357 = vector.broadcast %div3A : f32 to vector<16xf32>
      %div3A_358 = arith.divf %div3A_357, %add3A_356 : vector<16xf32>
      %mul3A_359 = arith.mulf %exp3A, %div3A_358 : vector<16xf32>
      %swap3A = arith.constant 0 : i32
      %swap3A_360 = arith.index_cast %swap3A : i32 to index
      %swap3A_361 = arith.constant 0 : index
      %swap3A_362 = tpu.vector_load %arg6[%swap3A_360, %swap3A_361] {strides = array<i32>} : memref<1x512xf32, #tpu.memory_space<vmem>>, vector<1x16xf32>,
      %swap3A_363 = vector.shape_cast %swap3A_362 : vector<1x16xf32> to vector<16xf32>
      %swap3A_364 = vector.shape_cast %mul3A_359 : vector<16xf32> to vector<1x16xf32>
      tpu.vector_store %arg6[%swap3A_360, %swap3A_361], %swap3A_364 {strides = array<i32>} : memref<1x512xf32, #tpu.memory_space<vmem>>, vector<1x16xf32>,
      %mul3A_365 = arith.mulf %exp3A_233, %div3A_358 : vector<16xf32>
      %swap3A_366 = arith.constant 0 : i32
      %swap3A_367 = arith.index_cast %swap3A_366 : i32 to index
      %swap3A_368 = arith.constant 16 : index
      %swap3A_369 = tpu.vector_load %arg6[%swap3A_367, %swap3A_368] {strides = array<i32>} : memref<1x512xf32, #tpu.memory_space<vmem>>, vector<1x16xf32>,
      %swap3A_370 = vector.shape_cast %swap3A_369 : vector<1x16xf32> to vector<16xf32>
      %swap3A_371 = vector.shape_cast %mul3A_365 : vector<16xf32> to vector<1x16xf32>
      tpu.vector_store %arg6[%swap3A_367, %swap3A_368], %swap3A_371 {strides = array<i32>} : memref<1x512xf32, #tpu.memory_space<vmem>>, vector<1x16xf32>,
      %mul3A_372 = arith.mulf %exp3A_236, %div3A_358 : vector<16xf32>
      %swap3A_373 = arith.constant 0 : i32
      %swap3A_374 = arith.index_cast %swap3A_373 : i32 to index
      %swap3A_375 = arith.constant 32 : index
      %swap3A_376 = tpu.vector_load %arg6[%swap3A_374, %swap3A_375] {strides = array<i32>} : memref<1x512xf32, #tpu.memory_space<vmem>>, vector<1x16xf32>,
      %swap3A_377 = vector.shape_cast %swap3A_376 : vector<1x16xf32> to vector<16xf32>
      %swap3A_378 = vector.shape_cast %mul3A_372 : vector<16xf32> to vector<1x16xf32>
      tpu.vector_store %arg6[%swap3A_374, %swap3A_375], %swap3A_378 {strides = array<i32>} : memref<1x512xf32, #tpu.memory_space<vmem>>, vector<1x16xf32>,
      %mul3A_379 = arith.mulf %exp3A_239, %div3A_358 : vector<16xf32>
      %swap3A_380 = arith.constant 0 : i32
      %swap3A_381 = arith.index_cast %swap3A_380 : i32 to index
      %swap3A_382 = arith.constant 48 : index
      %swap3A_383 = tpu.vector_load %arg6[%swap3A_381, %swap3A_382] {strides = array<i32>} : memref<1x512xf32, #tpu.memory_space<vmem>>, vector<1x16xf32>,
      %swap3A_384 = vector.shape_cast %swap3A_383 : vector<1x16xf32> to vector<16xf32>
      %swap3A_385 = vector.shape_cast %mul3A_379 : vector<16xf32> to vector<1x16xf32>
      tpu.vector_store %arg6[%swap3A_381, %swap3A_382], %swap3A_385 {strides = array<i32>} : memref<1x512xf32, #tpu.memory_space<vmem>>, vector<1x16xf32>,
      %mul3A_386 = arith.mulf %exp3A_242, %div3A_358 : vector<16xf32>
      %swap3A_387 = arith.constant 0 : i32
      %swap3A_388 = arith.index_cast %swap3A_387 : i32 to index
      %swap3A_389 = arith.constant 64 : index
      %swap3A_390 = tpu.vector_load %arg6[%swap3A_388, %swap3A_389] {strides = array<i32>} : memref<1x512xf32, #tpu.memory_space<vmem>>, vector<1x16xf32>,
      %swap3A_391 = vector.shape_cast %swap3A_390 : vector<1x16xf32> to vector<16xf32>
      %swap3A_392 = vector.shape_cast %mul3A_386 : vector<16xf32> to vector<1x16xf32>
      tpu.vector_store %arg6[%swap3A_388, %swap3A_389], %swap3A_392 {strides = array<i32>} : memref<1x512xf32, #tpu.memory_space<vmem>>, vector<1x16xf32>,
      %mul3A_393 = arith.mulf %exp3A_245, %div3A_358 : vector<16xf32>
      %swap3A_394 = arith.constant 0 : i32
      %swap3A_395 = arith.index_cast %swap3A_394 : i32 to index
      %swap3A_396 = arith.constant 80 : index
      %swap3A_397 = tpu.vector_load %arg6[%swap3A_395, %swap3A_396] {strides = array<i32>} : memref<1x512xf32, #tpu.memory_space<vmem>>, vector<1x16xf32>,
      %swap3A_398 = vector.shape_cast %swap3A_397 : vector<1x16xf32> to vector<16xf32>
      %swap3A_399 = vector.shape_cast %mul3A_393 : vector<16xf32> to vector<1x16xf32>
      tpu.vector_store %arg6[%swap3A_395, %swap3A_396], %swap3A_399 {strides = array<i32>} : memref<1x512xf32, #tpu.memory_space<vmem>>, vector<1x16xf32>,
      %mul3A_400 = arith.mulf %exp3A_248, %div3A_358 : vector<16xf32>
      %swap3A_401 = arith.constant 0 : i32
      %swap3A_402 = arith.index_cast %swap3A_401 : i32 to index
      %swap3A_403 = arith.constant 96 : index
      %swap3A_404 = tpu.vector_load %arg6[%swap3A_402, %swap3A_403] {strides = array<i32>} : memref<1x512xf32, #tpu.memory_space<vmem>>, vector<1x16xf32>,
      %swap3A_405 = vector.shape_cast %swap3A_404 : vector<1x16xf32> to vector<16xf32>
      %swap3A_406 = vector.shape_cast %mul3A_400 : vector<16xf32> to vector<1x16xf32>
      tpu.vector_store %arg6[%swap3A_402, %swap3A_403], %swap3A_406 {strides = array<i32>} : memref<1x512xf32, #tpu.memory_space<vmem>>, vector<1x16xf32>,
      %mul3A_407 = arith.mulf %exp3A_251, %div3A_358 : vector<16xf32>
      %swap3A_408 = arith.constant 0 : i32
      %swap3A_409 = arith.index_cast %swap3A_408 : i32 to index
      %swap3A_410 = arith.constant 112 : index
      %swap3A_411 = tpu.vector_load %arg6[%swap3A_409, %swap3A_410] {strides = array<i32>} : memref<1x512xf32, #tpu.memory_space<vmem>>, vector<1x16xf32>,
      %swap3A_412 = vector.shape_cast %swap3A_411 : vector<1x16xf32> to vector<16xf32>
      %swap3A_413 = vector.shape_cast %mul3A_407 : vector<16xf32> to vector<1x16xf32>
      tpu.vector_store %arg6[%swap3A_409, %swap3A_410], %swap3A_413 {strides = array<i32>} : memref<1x512xf32, #tpu.memory_space<vmem>>, vector<1x16xf32>,
      %mul3A_414 = arith.mulf %exp3A_254, %div3A_358 : vector<16xf32>
      %swap3A_415 = arith.constant 0 : i32
      %swap3A_416 = arith.index_cast %swap3A_415 : i32 to index
      %swap3A_417 = arith.constant 128 : index
      %swap3A_418 = tpu.vector_load %arg6[%swap3A_416, %swap3A_417] {strides = array<i32>} : memref<1x512xf32, #tpu.memory_space<vmem>>, vector<1x16xf32>,
      %swap3A_419 = vector.shape_cast %swap3A_418 : vector<1x16xf32> to vector<16xf32>
      %swap3A_420 = vector.shape_cast %mul3A_414 : vector<16xf32> to vector<1x16xf32>
      tpu.vector_store %arg6[%swap3A_416, %swap3A_417], %swap3A_420 {strides = array<i32>} : memref<1x512xf32, #tpu.memory_space<vmem>>, vector<1x16xf32>,
      %mul3A_421 = arith.mulf %exp3A_257, %div3A_358 : vector<16xf32>
      %swap3A_422 = arith.constant 0 : i32
      %swap3A_423 = arith.index_cast %swap3A_422 : i32 to index
      %swap3A_424 = arith.constant 144 : index
      %swap3A_425 = tpu.vector_load %arg6[%swap3A_423, %swap3A_424] {strides = array<i32>} : memref<1x512xf32, #tpu.memory_space<vmem>>, vector<1x16xf32>,
      %swap3A_426 = vector.shape_cast %swap3A_425 : vector<1x16xf32> to vector<16xf32>
      %swap3A_427 = vector.shape_cast %mul3A_421 : vector<16xf32> to vector<1x16xf32>
      tpu.vector_store %arg6[%swap3A_423, %swap3A_424], %swap3A_427 {strides = array<i32>} : memref<1x512xf32, #tpu.memory_space<vmem>>, vector<1x16xf32>,
      %mul3A_428 = arith.mulf %exp3A_260, %div3A_358 : vector<16xf32>
      %swap3A_429 = arith.constant 0 : i32
      %swap3A_430 = arith.index_cast %swap3A_429 : i32 to index
      %swap3A_431 = arith.constant 160 : index
      %swap3A_432 = tpu.vector_load %arg6[%swap3A_430, %swap3A_431] {strides = array<i32>} : memref<1x512xf32, #tpu.memory_space<vmem>>, vector<1x16xf32>,
      %swap3A_433 = vector.shape_cast %swap3A_432 : vector<1x16xf32> to vector<16xf32>
      %swap3A_434 = vector.shape_cast %mul3A_428 : vector<16xf32> to vector<1x16xf32>
      tpu.vector_store %arg6[%swap3A_430, %swap3A_431], %swap3A_434 {strides = array<i32>} : memref<1x512xf32, #tpu.memory_space<vmem>>, vector<1x16xf32>,
      %mul3A_435 = arith.mulf %exp3A_263, %div3A_358 : vector<16xf32>
      %swap3A_436 = arith.constant 0 : i32
      %swap3A_437 = arith.index_cast %swap3A_436 : i32 to index
      %swap3A_438 = arith.constant 176 : index
      %swap3A_439 = tpu.vector_load %arg6[%swap3A_437, %swap3A_438] {strides = array<i32>} : memref<1x512xf32, #tpu.memory_space<vmem>>, vector<1x16xf32>,
      %swap3A_440 = vector.shape_cast %swap3A_439 : vector<1x16xf32> to vector<16xf32>
      %swap3A_441 = vector.shape_cast %mul3A_435 : vector<16xf32> to vector<1x16xf32>
      tpu.vector_store %arg6[%swap3A_437, %swap3A_438], %swap3A_441 {strides = array<i32>} : memref<1x512xf32, #tpu.memory_space<vmem>>, vector<1x16xf32>,
      %mul3A_442 = arith.mulf %exp3A_266, %div3A_358 : vector<16xf32>
      %swap3A_443 = arith.constant 0 : i32
      %swap3A_444 = arith.index_cast %swap3A_443 : i32 to index
      %swap3A_445 = arith.constant 192 : index
      %swap3A_446 = tpu.vector_load %arg6[%swap3A_444, %swap3A_445] {strides = array<i32>} : memref<1x512xf32, #tpu.memory_space<vmem>>, vector<1x16xf32>,
      %swap3A_447 = vector.shape_cast %swap3A_446 : vector<1x16xf32> to vector<16xf32>
      %swap3A_448 = vector.shape_cast %mul3A_442 : vector<16xf32> to vector<1x16xf32>
      tpu.vector_store %arg6[%swap3A_444, %swap3A_445], %swap3A_448 {strides = array<i32>} : memref<1x512xf32, #tpu.memory_space<vmem>>, vector<1x16xf32>,
      %mul3A_449 = arith.mulf %exp3A_269, %div3A_358 : vector<16xf32>
      %swap3A_450 = arith.constant 0 : i32
      %swap3A_451 = arith.index_cast %swap3A_450 : i32 to index
      %swap3A_452 = arith.constant 208 : index
      %swap3A_453 = tpu.vector_load %arg6[%swap3A_451, %swap3A_452] {strides = array<i32>} : memref<1x512xf32, #tpu.memory_space<vmem>>, vector<1x16xf32>,
      %swap3A_454 = vector.shape_cast %swap3A_453 : vector<1x16xf32> to vector<16xf32>
      %swap3A_455 = vector.shape_cast %mul3A_449 : vector<16xf32> to vector<1x16xf32>
      tpu.vector_store %arg6[%swap3A_451, %swap3A_452], %swap3A_455 {strides = array<i32>} : memref<1x512xf32, #tpu.memory_space<vmem>>, vector<1x16xf32>,
      %mul3A_456 = arith.mulf %exp3A_272, %div3A_358 : vector<16xf32>
      %swap3A_457 = arith.constant 0 : i32
      %swap3A_458 = arith.index_cast %swap3A_457 : i32 to index
      %swap3A_459 = arith.constant 224 : index
      %swap3A_460 = tpu.vector_load %arg6[%swap3A_458, %swap3A_459] {strides = array<i32>} : memref<1x512xf32, #tpu.memory_space<vmem>>, vector<1x16xf32>,
      %swap3A_461 = vector.shape_cast %swap3A_460 : vector<1x16xf32> to vector<16xf32>
      %swap3A_462 = vector.shape_cast %mul3A_456 : vector<16xf32> to vector<1x16xf32>
      tpu.vector_store %arg6[%swap3A_458, %swap3A_459], %swap3A_462 {strides = array<i32>} : memref<1x512xf32, #tpu.memory_space<vmem>>, vector<1x16xf32>,
      %mul3A_463 = arith.mulf %exp3A_275, %div3A_358 : vector<16xf32>
      %swap3A_464 = arith.constant 0 : i32
      %swap3A_465 = arith.index_cast %swap3A_464 : i32 to index
      %swap3A_466 = arith.constant 240 : index
      %swap3A_467 = tpu.vector_load %arg6[%swap3A_465, %swap3A_466] {strides = array<i32>} : memref<1x512xf32, #tpu.memory_space<vmem>>, vector<1x16xf32>,
      %swap3A_468 = vector.shape_cast %swap3A_467 : vector<1x16xf32> to vector<16xf32>
      %swap3A_469 = vector.shape_cast %mul3A_463 : vector<16xf32> to vector<1x16xf32>
      tpu.vector_store %arg6[%swap3A_465, %swap3A_466], %swap3A_469 {strides = array<i32>} : memref<1x512xf32, #tpu.memory_space<vmem>>, vector<1x16xf32>,
      %mul3A_470 = arith.mulf %exp3A_278, %div3A_358 : vector<16xf32>
      %swap3A_471 = arith.constant 0 : i32
      %swap3A_472 = arith.index_cast %swap3A_471 : i32 to index
      %swap3A_473 = arith.constant 256 : index
      %swap3A_474 = tpu.vector_load %arg6[%swap3A_472, %swap3A_473] {strides = array<i32>} : memref<1x512xf32, #tpu.memory_space<vmem>>, vector<1x16xf32>,
      %swap3A_475 = vector.shape_cast %swap3A_474 : vector<1x16xf32> to vector<16xf32>
      %swap3A_476 = vector.shape_cast %mul3A_470 : vector<16xf32> to vector<1x16xf32>
      tpu.vector_store %arg6[%swap3A_472, %swap3A_473], %swap3A_476 {strides = array<i32>} : memref<1x512xf32, #tpu.memory_space<vmem>>, vector<1x16xf32>,
      %mul3A_477 = arith.mulf %exp3A_281, %div3A_358 : vector<16xf32>
      %swap3A_478 = arith.constant 0 : i32
      %swap3A_479 = arith.index_cast %swap3A_478 : i32 to index
      %swap3A_480 = arith.constant 272 : index
      %swap3A_481 = tpu.vector_load %arg6[%swap3A_479, %swap3A_480] {strides = array<i32>} : memref<1x512xf32, #tpu.memory_space<vmem>>, vector<1x16xf32>,
      %swap3A_482 = vector.shape_cast %swap3A_481 : vector<1x16xf32> to vector<16xf32>
      %swap3A_483 = vector.shape_cast %mul3A_477 : vector<16xf32> to vector<1x16xf32>
      tpu.vector_store %arg6[%swap3A_479, %swap3A_480], %swap3A_483 {strides = array<i32>} : memref<1x512xf32, #tpu.memory_space<vmem>>, vector<1x16xf32>,
      %mul3A_484 = arith.mulf %exp3A_284, %div3A_358 : vector<16xf32>
      %swap3A_485 = arith.constant 0 : i32
      %swap3A_486 = arith.index_cast %swap3A_485 : i32 to index
      %swap3A_487 = arith.constant 288 : index
      %swap3A_488 = tpu.vector_load %arg6[%swap3A_486, %swap3A_487] {strides = array<i32>} : memref<1x512xf32, #tpu.memory_space<vmem>>, vector<1x16xf32>,
      %swap3A_489 = vector.shape_cast %swap3A_488 : vector<1x16xf32> to vector<16xf32>
      %swap3A_490 = vector.shape_cast %mul3A_484 : vector<16xf32> to vector<1x16xf32>
      tpu.vector_store %arg6[%swap3A_486, %swap3A_487], %swap3A_490 {strides = array<i32>} : memref<1x512xf32, #tpu.memory_space<vmem>>, vector<1x16xf32>,
      %mul3A_491 = arith.mulf %exp3A_287, %div3A_358 : vector<16xf32>
      %swap3A_492 = arith.constant 0 : i32
      %swap3A_493 = arith.index_cast %swap3A_492 : i32 to index
      %swap3A_494 = arith.constant 304 : index
      %swap3A_495 = tpu.vector_load %arg6[%swap3A_493, %swap3A_494] {strides = array<i32>} : memref<1x512xf32, #tpu.memory_space<vmem>>, vector<1x16xf32>,
      %swap3A_496 = vector.shape_cast %swap3A_495 : vector<1x16xf32> to vector<16xf32>
      %swap3A_497 = vector.shape_cast %mul3A_491 : vector<16xf32> to vector<1x16xf32>
      tpu.vector_store %arg6[%swap3A_493, %swap3A_494], %swap3A_497 {strides = array<i32>} : memref<1x512xf32, #tpu.memory_space<vmem>>, vector<1x16xf32>,
      %mul3A_498 = arith.mulf %exp3A_290, %div3A_358 : vector<16xf32>
      %swap3A_499 = arith.constant 0 : i32
      %swap3A_500 = arith.index_cast %swap3A_499 : i32 to index
      %swap3A_501 = arith.constant 320 : index
      %swap3A_502 = tpu.vector_load %arg6[%swap3A_500, %swap3A_501] {strides = array<i32>} : memref<1x512xf32, #tpu.memory_space<vmem>>, vector<1x16xf32>,
      %swap3A_503 = vector.shape_cast %swap3A_502 : vector<1x16xf32> to vector<16xf32>
      %swap3A_504 = vector.shape_cast %mul3A_498 : vector<16xf32> to vector<1x16xf32>
      tpu.vector_store %arg6[%swap3A_500, %swap3A_501], %swap3A_504 {strides = array<i32>} : memref<1x512xf32, #tpu.memory_space<vmem>>, vector<1x16xf32>,
      %mul3A_505 = arith.mulf %exp3A_293, %div3A_358 : vector<16xf32>
      %swap3A_506 = arith.constant 0 : i32
      %swap3A_507 = arith.index_cast %swap3A_506 : i32 to index
      %swap3A_508 = arith.constant 336 : index
      %swap3A_509 = tpu.vector_load %arg6[%swap3A_507, %swap3A_508] {strides = array<i32>} : memref<1x512xf32, #tpu.memory_space<vmem>>, vector<1x16xf32>,
      %swap3A_510 = vector.shape_cast %swap3A_509 : vector<1x16xf32> to vector<16xf32>
      %swap3A_511 = vector.shape_cast %mul3A_505 : vector<16xf32> to vector<1x16xf32>
      tpu.vector_store %arg6[%swap3A_507, %swap3A_508], %swap3A_511 {strides = array<i32>} : memref<1x512xf32, #tpu.memory_space<vmem>>, vector<1x16xf32>,
      %mul3A_512 = arith.mulf %exp3A_296, %div3A_358 : vector<16xf32>
      %swap3A_513 = arith.constant 0 : i32
      %swap3A_514 = arith.index_cast %swap3A_513 : i32 to index
      %swap3A_515 = arith.constant 352 : index
      %swap3A_516 = tpu.vector_load %arg6[%swap3A_514, %swap3A_515] {strides = array<i32>} : memref<1x512xf32, #tpu.memory_space<vmem>>, vector<1x16xf32>,
      %swap3A_517 = vector.shape_cast %swap3A_516 : vector<1x16xf32> to vector<16xf32>
      %swap3A_518 = vector.shape_cast %mul3A_512 : vector<16xf32> to vector<1x16xf32>
      tpu.vector_store %arg6[%swap3A_514, %swap3A_515], %swap3A_518 {strides = array<i32>} : memref<1x512xf32, #tpu.memory_space<vmem>>, vector<1x16xf32>,
      %mul3A_519 = arith.mulf %exp3A_299, %div3A_358 : vector<16xf32>
      %swap3A_520 = arith.constant 0 : i32
      %swap3A_521 = arith.index_cast %swap3A_520 : i32 to index
      %swap3A_522 = arith.constant 368 : index
      %swap3A_523 = tpu.vector_load %arg6[%swap3A_521, %swap3A_522] {strides = array<i32>} : memref<1x512xf32, #tpu.memory_space<vmem>>, vector<1x16xf32>,
      %swap3A_524 = vector.shape_cast %swap3A_523 : vector<1x16xf32> to vector<16xf32>
      %swap3A_525 = vector.shape_cast %mul3A_519 : vector<16xf32> to vector<1x16xf32>
      tpu.vector_store %arg6[%swap3A_521, %swap3A_522], %swap3A_525 {strides = array<i32>} : memref<1x512xf32, #tpu.memory_space<vmem>>, vector<1x16xf32>,
      %mul3A_526 = arith.mulf %exp3A_302, %div3A_358 : vector<16xf32>
      %swap3A_527 = arith.constant 0 : i32
      %swap3A_528 = arith.index_cast %swap3A_527 : i32 to index
      %swap3A_529 = arith.constant 384 : index
      %swap3A_530 = tpu.vector_load %arg6[%swap3A_528, %swap3A_529] {strides = array<i32>} : memref<1x512xf32, #tpu.memory_space<vmem>>, vector<1x16xf32>,
      %swap3A_531 = vector.shape_cast %swap3A_530 : vector<1x16xf32> to vector<16xf32>
      %swap3A_532 = vector.shape_cast %mul3A_526 : vector<16xf32> to vector<1x16xf32>
      tpu.vector_store %arg6[%swap3A_528, %swap3A_529], %swap3A_532 {strides = array<i32>} : memref<1x512xf32, #tpu.memory_space<vmem>>, vector<1x16xf32>,
      %mul3A_533 = arith.mulf %exp3A_305, %div3A_358 : vector<16xf32>
      %swap3A_534 = arith.constant 0 : i32
      %swap3A_535 = arith.index_cast %swap3A_534 : i32 to index
      %swap3A_536 = arith.constant 400 : index
      %swap3A_537 = tpu.vector_load %arg6[%swap3A_535, %swap3A_536] {strides = array<i32>} : memref<1x512xf32, #tpu.memory_space<vmem>>, vector<1x16xf32>,
      %swap3A_538 = vector.shape_cast %swap3A_537 : vector<1x16xf32> to vector<16xf32>
      %swap3A_539 = vector.shape_cast %mul3A_533 : vector<16xf32> to vector<1x16xf32>
      tpu.vector_store %arg6[%swap3A_535, %swap3A_536], %swap3A_539 {strides = array<i32>} : memref<1x512xf32, #tpu.memory_space<vmem>>, vector<1x16xf32>,
      %mul3A_540 = arith.mulf %exp3A_308, %div3A_358 : vector<16xf32>
      %swap3A_541 = arith.constant 0 : i32
      %swap3A_542 = arith.index_cast %swap3A_541 : i32 to index
      %swap3A_543 = arith.constant 416 : index
      %swap3A_544 = tpu.vector_load %arg6[%swap3A_542, %swap3A_543] {strides = array<i32>} : memref<1x512xf32, #tpu.memory_space<vmem>>, vector<1x16xf32>,
      %swap3A_545 = vector.shape_cast %swap3A_544 : vector<1x16xf32> to vector<16xf32>
      %swap3A_546 = vector.shape_cast %mul3A_540 : vector<16xf32> to vector<1x16xf32>
      tpu.vector_store %arg6[%swap3A_542, %swap3A_543], %swap3A_546 {strides = array<i32>} : memref<1x512xf32, #tpu.memory_space<vmem>>, vector<1x16xf32>,
      %mul3A_547 = arith.mulf %exp3A_311, %div3A_358 : vector<16xf32>
      %swap3A_548 = arith.constant 0 : i32
      %swap3A_549 = arith.index_cast %swap3A_548 : i32 to index
      %swap3A_550 = arith.constant 432 : index
      %swap3A_551 = tpu.vector_load %arg6[%swap3A_549, %swap3A_550] {strides = array<i32>} : memref<1x512xf32, #tpu.memory_space<vmem>>, vector<1x16xf32>,
      %swap3A_552 = vector.shape_cast %swap3A_551 : vector<1x16xf32> to vector<16xf32>
      %swap3A_553 = vector.shape_cast %mul3A_547 : vector<16xf32> to vector<1x16xf32>
      tpu.vector_store %arg6[%swap3A_549, %swap3A_550], %swap3A_553 {strides = array<i32>} : memref<1x512xf32, #tpu.memory_space<vmem>>, vector<1x16xf32>,
      %mul3A_554 = arith.mulf %exp3A_314, %div3A_358 : vector<16xf32>
      %swap3A_555 = arith.constant 0 : i32
      %swap3A_556 = arith.index_cast %swap3A_555 : i32 to index
      %swap3A_557 = arith.constant 448 : index
      %swap3A_558 = tpu.vector_load %arg6[%swap3A_556, %swap3A_557] {strides = array<i32>} : memref<1x512xf32, #tpu.memory_space<vmem>>, vector<1x16xf32>,
      %swap3A_559 = vector.shape_cast %swap3A_558 : vector<1x16xf32> to vector<16xf32>
      %swap3A_560 = vector.shape_cast %mul3A_554 : vector<16xf32> to vector<1x16xf32>
      tpu.vector_store %arg6[%swap3A_556, %swap3A_557], %swap3A_560 {strides = array<i32>} : memref<1x512xf32, #tpu.memory_space<vmem>>, vector<1x16xf32>,
      %mul3A_561 = arith.mulf %exp3A_317, %div3A_358 : vector<16xf32>
      %swap3A_562 = arith.constant 0 : i32
      %swap3A_563 = arith.index_cast %swap3A_562 : i32 to index
      %swap3A_564 = arith.constant 464 : index
      %swap3A_565 = tpu.vector_load %arg6[%swap3A_563, %swap3A_564] {strides = array<i32>} : memref<1x512xf32, #tpu.memory_space<vmem>>, vector<1x16xf32>,
      %swap3A_566 = vector.shape_cast %swap3A_565 : vector<1x16xf32> to vector<16xf32>
      %swap3A_567 = vector.shape_cast %mul3A_561 : vector<16xf32> to vector<1x16xf32>
      tpu.vector_store %arg6[%swap3A_563, %swap3A_564], %swap3A_567 {strides = array<i32>} : memref<1x512xf32, #tpu.memory_space<vmem>>, vector<1x16xf32>,
      %mul3A_568 = arith.mulf %exp3A_320, %div3A_358 : vector<16xf32>
      %swap3A_569 = arith.constant 0 : i32
      %swap3A_570 = arith.index_cast %swap3A_569 : i32 to index
      %swap3A_571 = arith.constant 480 : index
      %swap3A_572 = tpu.vector_load %arg6[%swap3A_570, %swap3A_571] {strides = array<i32>} : memref<1x512xf32, #tpu.memory_space<vmem>>, vector<1x16xf32>,
      %swap3A_573 = vector.shape_cast %swap3A_572 : vector<1x16xf32> to vector<16xf32>
      %swap3A_574 = vector.shape_cast %mul3A_568 : vector<16xf32> to vector<1x16xf32>
      tpu.vector_store %arg6[%swap3A_570, %swap3A_571], %swap3A_574 {strides = array<i32>} : memref<1x512xf32, #tpu.memory_space<vmem>>, vector<1x16xf32>,
      %mul3A_575 = arith.mulf %exp3A_323, %div3A_358 : vector<16xf32>
      %swap3A_576 = arith.constant 0 : i32
      %swap3A_577 = arith.index_cast %swap3A_576 : i32 to index
      %swap3A_578 = arith.constant 496 : index
      %swap3A_579 = tpu.vector_load %arg6[%swap3A_577, %swap3A_578] {strides = array<i32>} : memref<1x512xf32, #tpu.memory_space<vmem>>, vector<1x16xf32>,
      %swap3A_580 = vector.shape_cast %swap3A_579 : vector<1x16xf32> to vector<16xf32>
      %swap3A_581 = vector.shape_cast %mul3A_575 : vector<16xf32> to vector<1x16xf32>
      tpu.vector_store %arg6[%swap3A_577, %swap3A_578], %swap3A_581 {strides = array<i32>} : memref<1x512xf32, #tpu.memory_space<vmem>>, vector<1x16xf32>,
      "tpu.region"() ({
        %run_scoped3A = tpu.sem_alloc : memref<!tpu.dma_semaphore, #tpu.memory_space<semaphore_mem>>
        %dma_start3A_582 = arith.constant 0 : i32
        %dma_start3A_583 = tpu.memref_slice %arg4[%arg1, %dma_start3A_582] : memref<10x512xf32, #tpu.memory_space<hbm>> -> memref<1x512xf32, #tpu.memory_space<hbm>>
        %dma_start3A_584 = arith.constant 0 : i32
        %dma_start3A_585 = tpu.memref_slice %arg4[%arg1, %dma_start3A_584] : memref<10x512xf32, #tpu.memory_space<hbm>> -> memref<1x512xf32, #tpu.memory_space<hbm>>
        tpu.enqueue_dma source(%arg6 : memref<1x512xf32, #tpu.memory_space<vmem>>) target(%dma_start3A_585 : memref<1x512xf32, #tpu.memory_space<hbm>>) target_semaphore(%run_scoped3A : memref<!tpu.dma_semaphore, #tpu.memory_space<semaphore_mem>>)
        %dma_wait3A_586 = arith.constant 0 : i32
        %dma_wait3A_587 = tpu.memref_slice %arg4[%arg1, %dma_wait3A_586] : memref<10x512xf32, #tpu.memory_space<hbm>> -> memref<1x512xf32, #tpu.memory_space<hbm>>
        %dma_wait3A_588 = arith.constant 0 : i32
        %dma_wait3A_589 = tpu.memref_slice %arg4[%arg1, %dma_wait3A_588] : memref<10x512xf32, #tpu.memory_space<hbm>> -> memref<1x512xf32, #tpu.memory_space<hbm>>
        tpu.wait_dma2 semaphore(%run_scoped3A : memref<!tpu.dma_semaphore, #tpu.memory_space<semaphore_mem>>) src(%arg6 : memref<1x512xf32, #tpu.memory_space<vmem>>) dst(%dma_wait3A_589 : memref<1x512xf32, #tpu.memory_space<hbm>>)
        tpu.yield
      }) : () -> ()
    } else {
    }
    return
  }
}

</mosaic_0001>

<sc_bundles>
// kernel: kernel.3.cloned.1.call-start
scs
__scs_entry_jumppad:
0x0: {  	(pc) =	sbr.rel $0x88, $3  }
0x1: {  	(tag) =	ssettag $0x0;
	lr =	simm.s32 $0x1  }
0x2: {  	[smem:$0x3F9F] =	sst lr;
	_ =	strace $0xD0000000  }
0x3: {  	_ = 	snop  }
0x4: {  	_ = 	snop  }
0x5: {  	_ = 	snop  }
0x6: {  	_ = 	snop  }
0x7: {  	_ = 	snop  }
__scs_overlays_trampoline_lowered:
0x8: {  	[smem:$0x3FAE] =	sst s0  }
0x9: {  	[smem:$0x3FAF] =	sst s1  }
0xa: {  	[smem:$0x3FB0] =	sst s2  }
0xb: {  	[smem:$0x3FB1] =	sst s3  }
0xc: {  	[smem:$0x3FB2] =	sst s4  }
0xd: {  	[smem:$0x3FB3] =	sst s5  }
0xe: {  	[smem:$0x3FB4] =	sst s6  }
0xf: {  	[smem:$0x3FB5] =	sst s7  }
0x10: {  	[smem:$0x3FB6] =	sst s8  }
0x11: {  	[smem:$0x3FB7] =	sst s9;
	s0 =	simm.s32 @!p0 $0x0  }
0x12: {  	s1 =	sld [smem:$0x3F9D];
	s0 =	simm.s32 @p0 $0x1  }
0x13: {  	[smem:$0x3FB8] =	sst s0;
	s0 =	simm.s32 @!p1 $0x0  }
0x14: {  	s2 =	sld [smem:$0x3F9C];
	s0 =	simm.s32 @p1 $0x1  }
0x15: {  	[smem:$0x3FB9] =	sst s0;
	s0 =	simm.s32 @!p2 $0x0  }
0x16: {  	s3 =	sld [smem:$0x3FDB];
	s0 =	simm.s32 @p2 $0x1  }
0x17: {  	s4 =	simm.s32 $0x1BF5;
	[smem:$0x3FBB] =	sst s0  }
0x18: {  	s0 =	sld [smem:$0x3F9E];
	_ =	swait.ge [sflag:s4], $0x0  }
0x19: {  	s7 =	sld [smem:$0x3F9F]  }
0x1a: {  	s8 =	sadd.s32 $0xFFFFE003, lr  }
0x1b: {  	s9 =	sadd.s32 $0xFFFFFEF7, lr;
	s5 =	simm.s32 $0xFFFFFFFF;
	p2 =	slt.u32 s8, $0xFFFFF086  }
0x1c: {  	p1 =	slt.u32 s9, $0xF7A;
	s5 =	simm.s32 @!p2 $0x0  }
0x1d: {  	s5 =	simm.s32 @p1 $0x1;
	p0 =	seq.s32 s7, s2  }
0x1e: {  	s7 =	smul.u32 @!p0 $0xF7A, s2;
	p2 =	seq.s32 @!p0 s5, $0x0  }
0x1f: {  	s9 =	smul.u32 $0xF7A, s1;
	s8 =	simm.s32 @!p0 $0x1BF5;
	p2 =	por !p2, p0  }
0x20: {  	[sflag:s8] =	ssyncset.s32 @!p0 $0xFFFFF086;
	s6 =	sadd.s32 @!p0 s3, s7;
	s7 =	simm.s32 @!p0 $0x108  }
0x21: {  	s3 =	sadd.s32 s3, s9;
	s6 =	sadd.s32 @!p0 $0x88, s6;
	s7 =	simm.s32 @p2 $0x1082  }
0x22: {  	[simem:s7], [sflag:s8] =	dma.local @!p0 [hbm:s6], $0xF7A  }
0x23: {  	s9 =	sor.u32 $0xD0000000, s2;
	s6 =	simm.s32 $0x108;
	_ =	swait.ge @!p0 [sflag:s8], $0x0  }
0x24: {  	s3 =	sadd.s32 $0x88, s3;
	s6 =	simm.s32 @!p1 $0x1082;
	[sflag:s4] =	ssyncset.s32 $0xFFFFF086  }
0x25: {  	[simem:s6], [sflag:s4] =	dma.local [hbm:s3], $0xF7A  }
0x26: {  	[smem:$0x3F9F] =	sst s1;
	(tag) =	ssettag s2;
	_ =	strace s9  }
0x27: {  	s1 =	sld [smem:$0x3FAF]  }
0x28: {  	s2 =	sld [smem:$0x3FB0]  }
0x29: {  	s4 =	sld [smem:$0x3FB2]  }
0x2a: {  	p0 =	seq.s32 s5, $0x0;
	s5 =	sld [smem:$0x3FB3]  }
0x2b: {  	s6 =	sld [smem:$0x3FB4]  }
0x2c: {  	s7 =	sld [smem:$0x3FB5]  }
0x2d: {  	s3 =	simm.s32 $0x108;
	s8 =	sld [smem:$0x3FB6]  }
0x2e: {  	s3 =	simm.s32 @!p0 $0x1082;
	s9 =	sld [smem:$0x3FB7]  }
0x2f: {  	lr =	sadd.s32 s0, s3;
	s0 =	sld [smem:$0x3FAE]  }
0x30: {  	s3 =	sld [smem:$0x3FB1]  }
0x31: {  	[smem:$0x3FBA] =	sst s10  }
0x32: {  	s10 =	sld [smem:$0x3FB8];
	_ =	sdelay $0x3  }
0x33: {  	p0 =	seq.s32 s10, $0x1;
	s10 =	sld [smem:$0x3FBA];
	_ =	sdelay $0x3  }
0x34: {  	[smem:$0x3FBA] =	sst s10  }
0x35: {  	s10 =	sld [smem:$0x3FB9];
	_ =	sdelay $0x3  }
0x36: {  	p1 =	seq.s32 s10, $0x1;
	s10 =	sld [smem:$0x3FBA];
	_ =	sdelay $0x3  }
0x37: {  	[smem:$0x3FBA] =	sst s10  }
0x38: {  	s10 =	sld [smem:$0x3FBB]  }
0x39: {  	_ = 	snop;
	(pc) =	sbr.ind lr, $3  }
0x3a: {  	_ = 	snop  }
0x3b: {  	_ = 	snop  }
0x3c: {  	p2 =	seq.s32 s10, $0x1;
	s10 =	sld [smem:$0x3FBA]  }
0x3d: {  	_ =	shalt  }
0x3e: {  	_ =	shalt  }
0x3f: {  	_ =	shalt  }
0x40: {  	_ =	shalt  }
0x41: {  	_ =	shalt  }
0x42: {  	_ =	shalt  }
0x43: {  	_ =	shalt  }
0x44: {  	_ =	shalt  }
0x45: {  	_ =	shalt  }
0x46: {  	_ =	shalt  }
0x47: {  	_ =	shalt  }
0x48: {  	_ =	shalt  }
0x49: {  	_ =	shalt  }
0x4a: {  	_ =	shalt  }
0x4b: {  	_ =	shalt  }
0x4c: {  	_ =	shalt  }
0x4d: {  	_ =	shalt  }
0x4e: {  	_ =	shalt  }
0x4f: {  	_ =	shalt  }
0x50: {  	_ =	shalt  }
0x51: {  	_ =	shalt  }
0x52: {  	_ =	shalt  }
0x53: {  	_ =	shalt  }
0x54: {  	_ =	shalt  }
0x55: {  	_ =	shalt  }
0x56: {  	_ =	shalt  }
0x57: {  	_ =	shalt  }
0x58: {  	_ =	shalt  }
0x59: {  	_ =	shalt  }
0x5a: {  	_ =	shalt  }
0x5b: {  	_ =	shalt  }
0x5c: {  	_ =	shalt  }
0x5d: {  	_ =	shalt  }
0x5e: {  	_ =	shalt  }
0x5f: {  	_ =	shalt  }
0x60: {  	_ =	shalt  }
0x61: {  	_ =	shalt  }
0x62: {  	_ =	shalt  }
0x63: {  	_ =	shalt  }
0x64: {  	_ =	shalt  }
0x65: {  	_ =	shalt  }
0x66: {  	_ =	shalt  }
0x67: {  	_ =	shalt  }
0x68: {  	_ =	shalt  }
0x69: {  	_ =	shalt  }
0x6a: {  	_ =	shalt  }
0x6b: {  	_ =	shalt  }
0x6c: {  	_ =	shalt  }
0x6d: {  	_ =	shalt  }
0x6e: {  	_ =	shalt  }
0x6f: {  	_ =	shalt  }
0x70: {  	_ =	shalt  }
0x71: {  	_ =	shalt  }
0x72: {  	_ =	shalt  }
0x73: {  	_ =	shalt  }
0x74: {  	_ =	shalt  }
0x75: {  	_ =	shalt  }
0x76: {  	_ =	shalt  }
0x77: {  	_ =	shalt  }
0x78: {  	_ =	shalt  }
0x79: {  	_ =	shalt  }
0x7a: {  	_ =	shalt  }
0x7b: {  	_ =	shalt  }
0x7c: {  	_ =	shalt  }
0x7d: {  	_ =	shalt  }
0x7e: {  	_ =	shalt  }
0x7f: {  	_ =	shalt  }
0x80: {  	_ =	shalt  }
0x81: {  	_ =	shalt  }
0x82: {  	_ =	shalt  }
0x83: {  	_ =	shalt  }
0x84: {  	_ =	shalt  }
0x85: {  	_ =	shalt  }
0x86: {  	_ =	shalt  }
0x87: {  	_ =	shalt  }
.Lfunc_end0:
.L_simem_size_0:
called_computation_lowered:
.L_overlay_start_0:
0x88: {  	s0 =	sld [smem:$0x3FD9]  }
0x89: {  	s1 =	sld [smem:$0x3FFE];
	_ =	sdelay $0x3  }
0x8a: {  	s0 =	sadd.s32 s1, s0  }
0x8b: {  	[smem:$0x3FC6] =	sst s0  }
0x8c: {  	_ = 	snop  }
0x8d: {  	s0 =	sld [smem:$0x3FC9]  }
0x8e: {  	s17 =	sld [smem:$0x3FC8]  }
0x8f: {  	s2 =	sld [smem:$0x3FD0];
	(tm) =	ssettm $0x1  }
0x90: {  	s3 =	sld [smem:$0x3FFB];
	_ =	sdelay $0x3  }
0x91: {  	_ =	strace s3  }
0x92: {  	s3 =	sld [smem:$0x3FFC];
	_ =	sdelay $0x3  }
0x93: {  	_ =	strace s3  }
0x94: {  	s3 =	sld [smem:$0x3FFD];
	_ =	sdelay $0x3  }
0x95: {  	_ =	strace s3  }
0x96: {  	_ =	strace $0x8FFFFFFF  }
0x97: {  	s18 =	sld [smem:$0x3FDB];
	_ =	sdelay $0x1  }
0x98: {  	s4 =	simm.s32 $_scs_section_size  }
0x99: {  	s5 =	simm.s32 $_size__tile_overlayer_lowered;
	s6 =	simm.s32 $_tile_overlayer_lowered  }
0x9a: {  	s21 =	simm.s32 $0x1BFF;
	s20 =	sshll.u32 s6, $0x1;
	s3 =	sadd.s32 s4, s18  }
0x9b: {  	s7 =	simm.s32 $0x0;
	s19 =	sshll.u32 s5, $0x1;
	s5 =	sadd.s32 s20, s3  }
0x9c: {  	[timem:s7], [sflag:s21] =	dma.local [hbm:s5], s19  }
0x9d: {  	_ =	swait.ge [sflag:s21], s19  }
0x9e: {  	s4 =	ssub.s32 $0x0, s19;
	[sflag:s21] =	ssyncset.done $0x0  }
0x9f: {  	[sflag:s21] =	ssyncadd.s32 s4;
	_ =	sdelay $0x1  }
0xa0: {  	s22 =	simm.s32 $0x1B8B  }
0xa1: {  	_ =	swait.ge [sflag:s22], $0x1  }
0xa2: {  	[sflag:s22] =	ssyncset.done $0x0  }
0xa3: {  	s23 =	simm.s32 $0x1B8E;
	[sflag:s22] =	ssyncadd.s32 $0xFFFFFFFF  }
0xa4: {  	s24 =	simm.s32 $execute0_lowered;
	[smem:$0x3FD2] =	sst s23  }
0xa5: {  	s4 =	sshll.u32 s24, $0x1;
	_ =	strace $0x80000046;
	[dreg:$0x1] =	wrdreg $0xFFFFFFFF  }
0xa6: {  	s25 =	simm.s32 $_size_execute0_lowered;
	s3 =	sadd.s32 s3, s4;
	[dreg:$0x0] =	wrdreg $0x0  }
0xa7: {  	s4 =	sshll.u32 s25, $0x1;
	[dreg:$0x2] =	wrdreg s3  }
0xa8: {  	[dreg:$0x3] =	wrdreg s4  }
0xa9: {  	[dreg:$0x4] =	wrdreg $0xC0  }
0xaa: {  	_ =	task [dreg:s7], $0x5FFFF  }
0xab: {  	[dreg:$0x1] =	wrdreg $0xFFFFFFFF  }
0xac: {  	[dreg:$0x0] =	wrdreg $0x60  }
0xad: {  	[dreg:$0x2] =	wrdreg s0  }
0xae: {  	[dreg:$0x3] =	wrdreg s17  }
0xaf: {  	[dreg:$0x4] =	wrdreg s2  }
0xb0: {  	[dreg:$0x5] =	wrdreg $0x9  }
0xb1: {  	_ =	task.clear_ibuf [dreg:s7], $0x6FFFF;
	_ =	strace $0x90000046  }
0xb2: {  	s26 =	simm.s32 $0x9;
	_ =	strace $0x80000048  }
0xb3: {  	_ =	swait.ge [sflag:s26], $0x1  }
0xb4: {  	[sflag:s26] =	ssyncadd.s32 $0xFFFFFFFF  }
0xb5: {  	_ =	strace $0x90000048  }
0xb6: {  	_ =	sfence  }
0xb7: {  	s28 =	sld [smem:$0x0];
	_ =	sdelay $0x1  }
0xb8: {  	s29 =	srdreg.scid  }
0xb9: {  	s30 =	sshll.u32 s29, $0xD;
	s31 =	sshrl.u32 s29, $0x2  }
0xba: {  	s1 =	sand.u32 $0x1, s29;
	s2 =	sand.u32 $0x4000, s30;
	s0 =	sadd.s32 s31, s28  }
0xbb: {  	s1 =	sor.u32 s2, s1;
	s0 =	sshll.u32 s0, $0x11  }
0xbc: {  	s0 =	sor.u32 s0, s1  }
0xbd: {  	s0 =	sadd.s32 $0x8F2B, s0  }
0xbe: {  	[sflag:s0] =	ssyncadd.remote.s32 $0x1  }
0xbf: {  	_ =	sfence.sel $0xFFFF  }
0xc0: {  	[dreg:$0x0] =	wrdreg $0xFFFFFFFF;
	(pc) =	sbr.abs _section_cstart, $3  }
0xc1: {  	[dreg:$0x1] =	wrdreg $0xFFFFFFFF  }
0xc2: {  	_ =	task.clear_ibuf [dreg:s7], $0x2FFFF;
	_ =	strace $0x9FFFFFFF  }
0xc3: {  	(tm) =	ssettm $0x7FFFFFFF  }
tec
execute0_lowered:
.L_overlay_start_1:
0x0: {  	(tag) =	ssettag $0x1  }
0x1: {  	s1 =	stileid.u32  }
0x2: {  	p0 =	sgt.u32 s1, $0x9  }
.Ltmp0:
0x3: {  	s3 =	rddreg [dreg:$0x0];
	(pc) =	sbr.rel @p0 .LBB2_2-.Ltmp0, $4  }
0x4: {  	s4 =	rddreg [dreg:$0x1]  }
0x5: {  	s2 =	rddreg [dreg:$0x2];
	s5 =	simm.s32 $0x0  }
0x6: {  	[smem:$0x7FF] =	sst s5  }
0x7: {  	s0 =	rddreg [dreg:$0x3];
	_ =	strace $0x80000047  }
0x8: {  	[tilespmem:s5], [sflag:$0x2] =	stream.linear.gather [hbm4b:s3+s5], $0x1, $0x38;
	[tilespmem:$0x280] =	vst v63  }
0x9: {  	s23 =	simm.s32 $0x2  }
0xa: {  	_ =	swait.ge [sflag:s23], $0x1  }
0xb: {  	[sflag:s23] =	ssyncset.done $0x0  }
0xc: {  	[sflag:s23] =	ssyncadd.s32 $0xFFFFFFFF  }
0xd: {  	v0 =	vld [tilespmem:$0x0];
	_ =	sdelay $0x4  }
0xe: {  	(v2sf) =	vpush v0, $0x0;
	_ =	sdelay $0xe  }
0xf: {  	s24 =	spop (v2sf)  }
0x10: {  	s5 =	smul.u32 $0xA, s24;
	_ =	sdelay $0x1  }
0x11: {  	s5 =	sadd.s32 s1, s5  }
0x12: {  	s6 =	sshll.u32 s5, $0x9;
	s5 =	sshll.u32 s5, $0x7  }
0x13: {  	s6 =	sand.u32 $0xFFFFF000, s6;
	s5 =	sand.u32 $0x380, s5  }
0x14: {  	s5 =	sor.u32 s5, s6  }
0x15: {  	s26 =	simm.s32 $0x400;
	s5 =	sshrl.u32 s5, $0x3  }
0x16: {  	s28 =	simm.s32 $0x80;
	s29 =	simm.s32 $0x1;
	s25 =	sadd.s32 s4, s5  }
0x17: {  	[tilespmem:s28], [sflag:$0x1] =	stream.strided.gather [hbm4b:s25+s28], $0x200, s26, s28, $0x38;
	[tilespmem:$0x280] =	vst v63  }
0x18: {  	_ =	swait.ge [sflag:s29], $0x200  }
0x19: {  	[sflag:s29] =	ssyncset.done $0x0  }
0x1a: {  	[sflag:s29] =	ssyncadd.s32 $0xFFFFFE00  }
0x1b: {  	v16 =	vld [tilespmem:$0x80]  }
0x1c: {  	v19 =	vld [tilespmem:$0x90]  }
0x1d: {  	v20 =	vld [tilespmem:$0xA0]  }
0x1e: {  	v23 =	vld [tilespmem:$0xB0]  }
0x1f: {  	v27 =	vld [tilespmem:$0xC0]  }
0x20: {  	v28 =	vld [tilespmem:$0xD0]  }
0x21: {  	v32 =	vld [tilespmem:$0xE0];
	v38 =	vmax.f32 v16, v19  }
0x22: {  	v33 =	vld [tilespmem:$0xF0];
	v0 =	vmax.f32 v38, v20  }
0x23: {  	v34 =	vld [tilespmem:$0x100];
	v0 =	vmax.f32 v0, v23  }
0x24: {  	v35 =	vld [tilespmem:$0x110];
	v0 =	vmax.f32 v0, v27  }
0x25: {  	v36 =	vld [tilespmem:$0x120];
	v0 =	vmax.f32 v0, v28  }
0x26: {  	v30 =	vld [tilespmem:$0x130];
	v0 =	vmax.f32 v0, v32  }
0x27: {  	v31 =	vld [tilespmem:$0x140];
	v0 =	vmax.f32 v0, v33  }
0x28: {  	v29 =	vld [tilespmem:$0x150];
	v0 =	vmax.f32 v0, v34  }
0x29: {  	v26 =	vld [tilespmem:$0x160];
	v0 =	vmax.f32 v0, v35  }
0x2a: {  	v25 =	vld [tilespmem:$0x170];
	v0 =	vmax.f32 v0, v36  }
0x2b: {  	v22 =	vld [tilespmem:$0x180];
	v0 =	vmax.f32 v0, v30  }
0x2c: {  	v21 =	vld [tilespmem:$0x190];
	v0 =	vmax.f32 v0, v31  }
0x2d: {  	v18 =	vld [tilespmem:$0x1A0];
	v0 =	vmax.f32 v0, v29  }
0x2e: {  	v17 =	vld [tilespmem:$0x1B0];
	v0 =	vmax.f32 v0, v26  }
0x2f: {  	v15 =	vld [tilespmem:$0x1C0];
	v0 =	vmax.f32 v0, v25  }
0x30: {  	v14 =	vld [tilespmem:$0x1D0];
	v0 =	vmax.f32 v0, v22  }
0x31: {  	v13 =	vld [tilespmem:$0x1E0];
	v0 =	vmax.f32 v0, v21  }
0x32: {  	v12 =	vld [tilespmem:$0x1F0];
	v0 =	vmax.f32 v0, v18  }
0x33: {  	v11 =	vld [tilespmem:$0x200];
	v0 =	vmax.f32 v0, v17  }
0x34: {  	v8 =	vld [tilespmem:$0x210];
	v0 =	vmax.f32 v0, v15  }
0x35: {  	v7 =	vld [tilespmem:$0x220];
	v0 =	vmax.f32 v0, v14  }
0x36: {  	v2 =	vimm.s32 $0xFEDCBA98;
	v5 =	vld [tilespmem:$0x230];
	v0 =	vmax.f32 v0, v13  }
0x37: {  	v6 =	vimm.s32 $0x76543210;
	v9 =	vunpack.c.l.s4.s8 v2;
	v4 =	vld [tilespmem:$0x240];
	v0 =	vmax.f32 v0, v12  }
0x38: {  	v40 =	vimm.s32 $0xBA98FEDC;
	v42 =	vimm.s32 $0x32107654;
	v3 =	vld [tilespmem:$0x250];
	v0 =	vmax.f32 v0, v11  }
0x39: {  	v37 =	vimm.s32 $0xDCFE98BA;
	v9 =	vunpack.c.0.s8.s32 v9;
	v1 =	vld [tilespmem:$0x260];
	v0 =	vmax.f32 v0, v8  }
0x3a: {  	v45 =	vimm.s32 $0xEFCDAB89;
	v6 =	vunpack.c.l.s4.s8 v6;
	v2 =	vld [tilespmem:$0x270];
	v0 =	vmax.f32 v0, v7  }
0x3b: {  	v39 =	vand.u32 $0xF, v9;
	v9 =	vunpack.c.l.s4.s8 v42;
	v0 =	vmax.f32 v0, v5  }
0x3c: {  	v41 =	vunpack.c.l.s4.s8 v40;
	v6 =	vunpack.c.0.s8.s32 v6;
	v0 =	vmax.f32 v0, v4  }
0x3d: {  	v9 =	vunpack.c.0.s8.s32 v9;
	v38 =	vimm.s32 $0x54761032;
	v0 =	vmax.f32 v0, v3  }
0x3e: {  	v10 =	vmax.f32 v0, v1;
	v0 =	vcombine.low v39, v6;
	v6 =	vunpack.c.0.s8.s32 v41  }
0x3f: {  	v37 =	vunpack.c.l.s4.s8 v37;
	v38 =	vunpack.c.l.s4.s8 v38;
	v10 =	vmax.f32 v10, v2  }
0x40: {  	v46 =	vimm.s32 $0x67452301;
	v24 =	vperm.xlane v10, v0;
	v6 =	vcombine.low v9, v6  }
0x41: {  	v43 =	vunpack.c.0.s8.s32 v37;
	v37 =	vunpack.c.l.s4.s8 v45;
	v44 =	vunpack.c.0.s8.s32 v38  }
0x42: {  	v38 =	vunpack.c.l.s4.s8 v46;
	v10 =	vmax.f32 v10, v24;
	v6 =	vand.u32 $0xF, v6  }
0x43: {  	v9 =	vcombine.low v44, v43;
	v47 =	vperm.xlane v10, v6  }
0x44: {  	v37 =	vunpack.c.0.s8.s32 v37;
	v38 =	vunpack.c.0.s8.s32 v38  }
0x45: {  	v9 =	vand.u32 $0xF, v9;
	v10 =	vmax.f32 v10, v47  }
0x46: {  	v48 =	vcombine.low v38, v37;
	v49 =	vperm.xlane v10, v9;
	_ =	sdelay $0x1  }
0x47: {  	v37 =	vmax.f32 v10, v49;
	v10 =	vand.u32 $0xF, v48  }
0x48: {  	v24 =	vperm.xlane v37, v10;
	_ =	sdelay $0x1  }
0x49: {  	v24 =	vmax.f32 v37, v24  }
0x4a: {  	v16 =	vsub.f32 v16, v24;
	_ =	sdelay $0x1  }
0x4b: {  	v19 =	vsub.f32 v19, v24;
	v16 =	vmul.f32 $1.442695020e+00, v16;
	_ =	sdelay $0x1  }
0x4c: {  	v51 =	vsub.f32 v20, v24;
	v50 =	vmul.f32 $1.442695020e+00, v19;
	(erf) = vpow2.f32 v16;
	_ =	sdelay $0x1  }
0x4d: {  	v53 =	vsub.f32 v23, v24;
	v52 =	vmul.f32 $1.442695020e+00, v51;
	(erf) = vpow2.f32 v50;
	_ =	sdelay $0x1  }
0x4e: {  	v54 =	vmul.f32 $1.442695020e+00, v53;
	(erf) = vpow2.f32 v52  }
0x4f: {  	v55 =	vsub.f32 v27, v24  }
0x50: {  	(erf) = vpow2.f32 v54  }
0x51: {  	v56 =	vsub.f32 v28, v24;
	v19 =	vmul.f32 $1.442695020e+00, v55;
	_ =	sdelay $0x1  }
0x52: {  	v57 =	vsub.f32 v32, v24;
	v20 =	vmul.f32 $1.442695020e+00, v56;
	v16 =	vpop (erf);
	(erf) = vpow2.f32 v19  }
0x53: {  	v58 =	vadd.f32 $0.0e+00, v16  }
0x54: {  	v59 =	vsub.f32 v33, v24;
	v23 =	vmul.f32 $1.442695020e+00, v57;
	v19 =	vpop (erf);
	(erf) = vpow2.f32 v20  }
0x55: {  	v27 =	vadd.f32 v58, v19  }
0x56: {  	v60 =	vsub.f32 v34, v24;
	v28 =	vmul.f32 $1.442695020e+00, v59;
	v20 =	vpop (erf);
	(erf) = vpow2.f32 v23  }
0x57: {  	v27 =	vadd.f32 v27, v20  }
0x58: {  	v62 =	vsub.f32 v35, v24;
	v61 =	vmul.f32 $1.442695020e+00, v60;
	v23 =	vpop (erf);
	(erf) = vpow2.f32 v28;
	_ =	sdelay $0x1  }
0x59: {  	v37 =	vmul.f32 $1.442695020e+00, v62;
	(erf) = vpow2.f32 v61;
	v63 =	vadd.f32 v27, v23  }
0x5a: {  	v38 =	vsub.f32 v36, v24;
	v27 =	vpop (erf)  }
0x5b: {  	(erf) = vpow2.f32 v37;
	v33 =	vadd.f32 v63, v27  }
0x5c: {  	v39 =	vsub.f32 v30, v24;
	v32 =	vmul.f32 $1.442695020e+00, v38;
	v28 =	vpop (erf)  }
0x5d: {  	v33 =	vadd.f32 v33, v28  }
0x5e: {  	v41 =	vsub.f32 v31, v24;
	v40 =	vmul.f32 $1.442695020e+00, v39;
	(erf) = vpow2.f32 v32;
	v30 =	vpop (erf)  }
0x5f: {  	v33 =	vadd.f32 v33, v30  }
0x60: {  	v43 =	vsub.f32 v29, v24;
	v42 =	vmul.f32 $1.442695020e+00, v41;
	(erf) = vpow2.f32 v40;
	v31 =	vpop (erf)  }
0x61: {  	v33 =	vadd.f32 v33, v31  }
0x62: {  	v44 =	vmul.f32 $1.442695020e+00, v43;
	(erf) = vpow2.f32 v42;
	v29 =	vpop (erf)  }
0x63: {  	v26 =	vsub.f32 v26, v24;
	v33 =	vadd.f32 v33, v29  }
0x64: {  	v34 =	vpop (erf);
	(erf) = vpow2.f32 v44  }
0x65: {  	v25 =	vsub.f32 v25, v24;
	v26 =	vmul.f32 $1.442695020e+00, v26  }
0x66: {  	v22 =	vsub.f32 v22, v24;
	v45 =	vadd.f32 v33, v34  }
0x67: {  	v25 =	vmul.f32 $1.442695020e+00, v25;
	v33 =	vpop (erf);
	(erf) = vpow2.f32 v26  }
0x68: {  	v22 =	vmul.f32 $1.442695020e+00, v22;
	v46 =	vadd.f32 v45, v33  }
0x69: {  	v21 =	vsub.f32 v21, v24;
	(erf) = vpow2.f32 v25;
	v47 =	vpop (erf)  }
0x6a: {  	(erf) = vpow2.f32 v22;
	v26 =	vadd.f32 v46, v47  }
0x6b: {  	v18 =	vsub.f32 v18, v24;
	v21 =	vmul.f32 $1.442695020e+00, v21;
	v48 =	vpop (erf)  }
0x6c: {  	v26 =	vadd.f32 v26, v48  }
0x6d: {  	v17 =	vsub.f32 v17, v24;
	v18 =	vmul.f32 $1.442695020e+00, v18;
	(erf) = vpow2.f32 v21;
	v49 =	vpop (erf)  }
0x6e: {  	v26 =	vadd.f32 v26, v49  }
0x6f: {  	v15 =	vsub.f32 v15, v24;
	v17 =	vmul.f32 $1.442695020e+00, v17;
	(erf) = vpow2.f32 v18  }
0x70: {  	v32 =	vpop (erf)  }
0x71: {  	v15 =	vmul.f32 $1.442695020e+00, v15;
	(erf) = vpow2.f32 v17;
	v50 =	vadd.f32 v26, v32  }
0x72: {  	v14 =	vsub.f32 v14, v24;
	v26 =	vpop (erf)  }
0x73: {  	v51 =	vadd.f32 v50, v26;
	v18 =	vpop (erf);
	(erf) = vpow2.f32 v15  }
0x74: {  	v13 =	vsub.f32 v13, v24;
	v14 =	vmul.f32 $1.442695020e+00, v14  }
0x75: {  	v12 =	vsub.f32 v12, v24;
	v52 =	vadd.f32 v51, v18  }
0x76: {  	v11 =	vsub.f32 v11, v24;
	v13 =	vmul.f32 $1.442695020e+00, v13;
	v17 =	vpop (erf);
	(erf) = vpow2.f32 v14  }
0x77: {  	v12 =	vmul.f32 $1.442695020e+00, v12;
	v53 =	vadd.f32 v52, v17  }
0x78: {  	v11 =	vmul.f32 $1.442695020e+00, v11;
	(erf) = vpow2.f32 v13;
	v54 =	vpop (erf)  }
0x79: {  	(erf) = vpow2.f32 v12;
	v14 =	vadd.f32 v53, v54  }
0x7a: {  	v8 =	vsub.f32 v8, v24;
	v55 =	vpop (erf)  }
0x7b: {  	(erf) = vpow2.f32 v11;
	v14 =	vadd.f32 v14, v55  }
0x7c: {  	v7 =	vsub.f32 v7, v24;
	v8 =	vmul.f32 $1.442695020e+00, v8;
	v11 =	vpop (erf)  }
0x7d: {  	v14 =	vadd.f32 v14, v11  }
0x7e: {  	v5 =	vsub.f32 v5, v24;
	v7 =	vmul.f32 $1.442695020e+00, v7;
	(erf) = vpow2.f32 v8  }
0x7f: {  	v4 =	vsub.f32 v4, v24;
	v15 =	vpop (erf)  }
0x80: {  	v5 =	vmul.f32 $1.442695020e+00, v5;
	(erf) = vpow2.f32 v7;
	v56 =	vadd.f32 v14, v15  }
0x81: {  	v3 =	vsub.f32 v3, v24;
	v14 =	vpop (erf)  }
0x82: {  	v4 =	vmul.f32 $1.442695020e+00, v4;
	v57 =	vadd.f32 v56, v14;
	v8 =	vpop (erf);
	(erf) = vpow2.f32 v5  }
0x83: {  	v3 =	vmul.f32 $1.442695020e+00, v3  }
0x84: {  	v1 =	vsub.f32 v1, v24;
	v7 =	vpop (erf);
	(erf) = vpow2.f32 v4;
	v58 =	vadd.f32 v57, v8  }
0x85: {  	v2 =	vsub.f32 v2, v24  }
0x86: {  	v1 =	vmul.f32 $1.442695020e+00, v1;
	(erf) = vpow2.f32 v3;
	v59 =	vadd.f32 v58, v7  }
0x87: {  	v3 =	vpop (erf)  }
0x88: {  	v60 =	vmul.f32 $1.442695020e+00, v2;
	(erf) = vpow2.f32 v1;
	v4 =	vadd.f32 v59, v3  }
0x89: {  	v2 =	vpop (erf)  }
0x8a: {  	(erf) = vpow2.f32 v60;
	v4 =	vadd.f32 v4, v2  }
0x8b: {  	v1 =	vpop (erf)  }
0x8c: {  	v4 =	vadd.f32 v4, v1  }
0x8d: {  	v61 =	vpop (erf)  }
0x8e: {  	v4 =	vadd.f32 v4, v61  }
0x8f: {  	v62 =	vpop (erf)  }
0x90: {  	v4 =	vadd.f32 v4, v62  }
0x91: {  	v63 =	vpop (erf)  }
0x92: {  	v4 =	vadd.f32 v4, v63  }
0x93: {  	v36 =	vpop (erf)  }
0x94: {  	v4 =	vadd.f32 v4, v36;
	_ =	sdelay $0x1  }
0x95: {  	v0 =	vperm.xlane v4, v0;
	_ =	sdelay $0x1  }
0x96: {  	v0 =	vadd.f32 v4, v0;
	_ =	sdelay $0x1  }
0x97: {  	v4 =	vperm.xlane v0, v6;
	_ =	sdelay $0x1  }
0x98: {  	v0 =	vadd.f32 v0, v4;
	_ =	sdelay $0x1  }
0x99: {  	v4 =	vperm.xlane v0, v9;
	_ =	sdelay $0x1  }
0x9a: {  	v0 =	vadd.f32 v0, v4;
	_ =	sdelay $0x1  }
0x9b: {  	v4 =	vperm.xlane v0, v10;
	_ =	sdelay $0x1  }
0x9c: {  	v0 =	vadd.f32 v0, v4;
	_ =	sdelay $0x1  }
0x9d: {  	(erf) = vrcp.f32 v0;
	_ =	sdelay $0x8  }
0x9e: {  	v0 =	vpop (erf)  }
0x9f: {  	v16 =	vmul.f32 v0, v16  }
0xa0: {  	v37 =	vmul.f32 v0, v19  }
0xa1: {  	v38 =	vmul.f32 v0, v20;
	[tilespmem:$0x80] =	vst v16  }
0xa2: {  	v39 =	vmul.f32 v0, v23;
	[tilespmem:$0x90] =	vst v37  }
0xa3: {  	v40 =	vmul.f32 v0, v27;
	[tilespmem:$0xA0] =	vst v38  }
0xa4: {  	v41 =	vmul.f32 v0, v28;
	[tilespmem:$0xB0] =	vst v39  }
0xa5: {  	v42 =	vmul.f32 v0, v30;
	[tilespmem:$0xC0] =	vst v40  }
0xa6: {  	v43 =	vmul.f32 v0, v31;
	[tilespmem:$0xD0] =	vst v41  }
0xa7: {  	v44 =	vmul.f32 v0, v29;
	[tilespmem:$0xE0] =	vst v42  }
0xa8: {  	v45 =	vmul.f32 v0, v34;
	[tilespmem:$0xF0] =	vst v43  }
0xa9: {  	v46 =	vmul.f32 v0, v33;
	[tilespmem:$0x100] =	vst v44  }
0xaa: {  	v47 =	vmul.f32 v0, v47;
	[tilespmem:$0x110] =	vst v45  }
0xab: {  	v48 =	vmul.f32 v0, v48;
	[tilespmem:$0x120] =	vst v46  }
0xac: {  	v49 =	vmul.f32 v0, v49;
	[tilespmem:$0x130] =	vst v47  }
0xad: {  	v50 =	vmul.f32 v0, v32;
	[tilespmem:$0x140] =	vst v48  }
0xae: {  	v51 =	vmul.f32 v0, v26;
	[tilespmem:$0x150] =	vst v49  }
0xaf: {  	v52 =	vmul.f32 v0, v18;
	[tilespmem:$0x160] =	vst v50  }
0xb0: {  	v53 =	vmul.f32 v0, v17;
	[tilespmem:$0x170] =	vst v51  }
0xb1: {  	v54 =	vmul.f32 v0, v54;
	[tilespmem:$0x180] =	vst v52  }
0xb2: {  	v55 =	vmul.f32 v0, v55;
	[tilespmem:$0x190] =	vst v53  }
0xb3: {  	v56 =	vmul.f32 v0, v11;
	[tilespmem:$0x1A0] =	vst v54  }
0xb4: {  	v57 =	vmul.f32 v0, v15;
	[tilespmem:$0x1B0] =	vst v55  }
0xb5: {  	v58 =	vmul.f32 v0, v14;
	[tilespmem:$0x1C0] =	vst v56  }
0xb6: {  	v59 =	vmul.f32 v0, v8;
	[tilespmem:$0x1D0] =	vst v57  }
0xb7: {  	v60 =	vmul.f32 v0, v7;
	[tilespmem:$0x1E0] =	vst v58  }
0xb8: {  	v3 =	vmul.f32 v0, v3;
	[tilespmem:$0x1F0] =	vst v59  }
0xb9: {  	v2 =	vmul.f32 v0, v2;
	[tilespmem:$0x200] =	vst v60  }
0xba: {  	v1 =	vmul.f32 v0, v1;
	[tilespmem:$0x210] =	vst v3  }
0xbb: {  	v61 =	vmul.f32 v0, v61;
	[tilespmem:$0x220] =	vst v2  }
0xbc: {  	v62 =	vmul.f32 v0, v62;
	[tilespmem:$0x230] =	vst v1  }
0xbd: {  	s30 =	sshll.u32 s1, $0x4;
	v63 =	vmul.f32 v0, v63;
	[tilespmem:$0x240] =	vst v61  }
0xbe: {  	s7 =	sshll.u32 s1, $0x6;
	s6 =	sand.u32 $0x70, s30;
	v0 =	vmul.f32 v0, v36;
	[tilespmem:$0x250] =	vst v62  }
0xbf: {  	s31 =	sand.u32 $0x200, s7;
	s2 =	sadd.s32 s2, s6;
	[tilespmem:$0x260] =	vst v63  }
0xc0: {  	s2 =	sadd.s32 s31, s2;
	[tilespmem:$0x270] =	vst v0  }
0xc1: {  	[hbm4b:s2+s28] =	stream.strided.scatter [tilespmem:s28], [sflag:$0x2], $0x200, s26, s28, $0x38;
	[tilespmem:$0x280] =	vst v63  }
0xc2: {  	_ =	swait.ge [sflag:s23], $0x200  }
0xc3: {  	[sflag:s23] =	ssyncset.done $0x0  }
0xc4: {  	[sflag:s23] =	ssyncadd.s32 $0xFFFFFE00  }
.LBB2_2:
0xc5: {  	_ =	sfence.sel $0x180000  }
0xc6: {  	[bflag:$0x0] =	sbarrier.arrive $0xFFFF  }
0xc7: {  	p0 =	sne.s32 s1, $0x0;
	_ =	strace $0x90000047  }
0xc8: {  	s0 =	sadd.s32 @!p0 $0x100000, s0;
	[bflag:$0x2] =	sbarrier.arrive $0xFFFF  }
0xc9: {  	[sflag:s0] =	ssyncadd.tile.s32 @!p0 $0x1;
	_ =	shalt  }
.Lfunc_end2:
_tile_overlayer_lowered:
.L_overlay_start_2:
0xca: {  	(tag) =	ssettag $0x2  }
0xcb: {  	s0 =	rddreg [dreg:$0x0];
	s2 =	stileid.u32  }
0xcc: {  	s1 =	rddreg [dreg:$0x1];
	p0 =	sne.s32 s2, $0x0  }
0xcd: {  	s3 =	rddreg [dreg:$0x2];
	[bflag:$0x3] =	sbarrier.arrive $0xFFFF;
	s2 =	simm.s32 @!p0 $0x1C02  }
0xce: {  	[timem:s3], [sflag:s2] =	dma.local @!p0 [hbm:s0], s1  }
0xcf: {  	s0 =	simm.s32 @!p0 $0x2  }
0xd0: {  	_ =	swait.ge @!p0 [sflag:s0], s1  }
0xd1: {  	s1 =	ssub.s32 @!p0 $0x0, s1;
	[sflag:s0] =	ssyncset.done @!p0 $0x0  }
0xd2: {  	[sflag:s0] =	ssyncadd.s32 @!p0 s1  }
0xd3: {  	[bflag:$0x3] =	sbarrier.arrive $0xFFFF  }
0xd4: {  	_ =	shalt  }

</sc_bundles>
